<compile_context>
chip_gen: v7x
topology: tpu7x:2x2x1
jax: 0.10.2.dev20260603
libtpu: 0.0.44.dev20260713+nightly
codegen_flags: <defaults>
</compile_context>

<pallas_src>
import functools
import math

import jax
import jax.numpy as jnp
from jax import lax
from jax.experimental import pallas as pl
from jax.experimental.pallas import tpu as pltpu
from jax.experimental.pallas import tpu_sc as plsc

_D = 128
_S = 200
_B = 1024
_N = _B * _S

_info = plsc.get_sparse_core_info()
_NC = _info.num_cores
_NS = _info.num_subcores
_NW = _NC * _NS
_NSLICE = 2
_BSL = _B // _NSLICE
_NSL = _N // _NSLICE
_PER_W = _NSL // _NW
_CHUNK = 128
_CHUNKS = _PER_W // _CHUNK
_NBUF = 6
_PREF = 3


def _sc_gather(tok3d, table):
    mesh = plsc.VectorSubcoreMesh(core_axis_name="c", subcore_axis_name="s")

    @functools.partial(
        pl.kernel,
        out_type=jax.ShapeDtypeStruct((_NSL, _D), jnp.float32),
        mesh=mesh,
        scratch_types=[
            pltpu.VMEM((_CHUNKS, _CHUNK), jnp.int32),
            *([pltpu.VMEM((_CHUNK, _D), jnp.float32)] * _NBUF),
            *([pltpu.SemaphoreType.DMA] * _NBUF),
            *([pltpu.SemaphoreType.DMA] * _NBUF),
        ],
    )
    def k(tok_hbm, table_hbm, out_hbm, idx_v, *bufsems):
        rows = bufsems[:_NBUF]
        gsem = bufsems[_NBUF : 2 * _NBUF]
        ssem = bufsems[2 * _NBUF :]
        wid = lax.axis_index("s") * _NC + lax.axis_index("c")
        base = wid * _PER_W
        pltpu.sync_copy(tok_hbm.at[wid], idx_v)

        for j in range(_PREF):
            pltpu.async_copy(table_hbm.at[idx_v.at[j]], rows[j], gsem[j])

        def turn(c, j):
            jn = (j + _PREF) % _NBUF
            pltpu.make_async_copy(
                table_hbm.at[idx_v.at[c]], rows[j], gsem[j]
            ).wait()
            pltpu.async_copy(
                rows[j], out_hbm.at[pl.ds(base + c * _CHUNK, _CHUNK)], ssem[j]
            )

            @pl.when(c + _PREF < _CHUNKS)
            def _():
                old = c + _PREF - _NBUF
                @pl.when(old >= 0)
                def _():
                    pltpu.make_async_copy(
                        rows[jn],
                        out_hbm.at[pl.ds(base + old * _CHUNK, _CHUNK)],
                        ssem[jn],
                    ).wait()

                pltpu.async_copy(
                    table_hbm.at[idx_v.at[c + _PREF]], rows[jn], gsem[jn]
                )

        def step(c, carry):
            for j in range(_NBUF):
                @pl.when(lax.rem(c, _NBUF) == j)
                def _(c=c, j=j):
                    turn(c, j)
            return carry

        lax.fori_loop(0, _CHUNKS, step, 0)

        for j in range(_NBUF):
            pltpu.make_async_copy(
                rows[j], out_hbm.at[pl.ds(0, _CHUNK)], ssem[j]
            ).wait()

    return k(tok3d, table)


_BB = 64


def _tc_body_first(g_ref, pos_ref, w_ref, o_ref):
    scale = math.sqrt(_D)
    x = g_ref[...] + pos_ref[...][None]
    ws = w_ref[...] * scale
    xf = x.reshape(_BB * _S, _D)
    y = lax.dot_general(
        xf, ws, (((1,), (1,)), ((), ())), preferred_element_type=jnp.float32
    )
    o_ref[...] = y.reshape(_BB, _S, _D)


def _tc_body(g_ref, pos_ref, w_ref, acc_ref, o_ref):
    del acc_ref
    _tc_body_first(g_ref, pos_ref, w_ref, o_ref)


def _tc_project(sl, g3d, pos, w, acc):
    off = sl * (_BSL // _BB)
    specs = [
        pl.BlockSpec((_BB, _S, _D), lambda i: (i, 0, 0)),
        pl.BlockSpec((_S, _D), lambda i: (0, 0)),
        pl.BlockSpec((_D, _D), lambda i: (0, 0)),
    ]
    args = (g3d, pos, w)
    body = _tc_body_first
    aliases = {}
    if acc is not None:
        specs.append(pl.BlockSpec(memory_space=pl.ANY))
        args = args + (acc,)
        body = _tc_body
        aliases = {3: 0}
    return pl.pallas_call(
        body,
        grid=(_BSL // _BB,),
        in_specs=specs,
        out_specs=pl.BlockSpec((_BB, _S, _D), lambda i: (off + i, 0, 0)),
        out_shape=jax.ShapeDtypeStruct((_B, _S, _D), jnp.float32),
        input_output_aliases=aliases,
    )(*args)


@jax.jit
def kernel(tokens, emb_weight, pos_weight, proj_weight):
    tok = tokens.astype(jnp.int32).reshape(_NSLICE, _NW, _CHUNKS, _CHUNK)
    gathered = []
    prev = None
    for sl in range(_NSLICE):
        t = tok[sl]
        if prev is not None:
            t, _ = lax.optimization_barrier((t, prev))
        prev = _sc_gather(t, emb_weight)
        gathered.append(prev)
    acc = None
    for sl in range(_NSLICE):
        g3d = gathered[sl].reshape(_BSL, _S, _D)
        acc = _tc_project(sl, g3d, pos_weight, proj_weight, acc)
    return acc

# --- scband reference (transcript-rebuilt; emitter-appended) ---
"""Pipeline reference for scband-input-network-1468878815246 (READ-ONLY COPY).

The authoritative reference and input builder live on the scoring server;
editing this copy changes nothing except your own understanding.
"""

import math
import jax, jax.numpy as jnp
import numpy as np

VOCAB = 1000000
D_MODEL = 128
SEQ_LEN = 200
BATCH = 1024


def setup_inputs(seed: int = 0) -> dict:
    key = jax.random.key(seed)
    k_tok, k_emb, k_pos, k_proj = jax.random.split(key, 4)
    tokens = jax.random.randint(k_tok, (BATCH, SEQ_LEN), 0, VOCAB, dtype=jnp.int64 if jax.config.jax_enable_x64 else jnp.int32)
    emb_weight = jax.random.normal(k_emb, (VOCAB, D_MODEL), dtype=jnp.float32) * 0.02
    pos_weight = jax.random.normal(k_pos, (SEQ_LEN, D_MODEL), dtype=jnp.float32)
    # nn.Linear default init: U(-1/sqrt(in), 1/sqrt(in)); weight shape [out, in]
    bound = 1.0 / math.sqrt(D_MODEL)
    proj_weight = jax.random.uniform(k_proj, (D_MODEL, D_MODEL), dtype=jnp.float32, minval=-bound, maxval=bound)
    return {"tokens": tokens, "emb_weight": emb_weight, "pos_weight": pos_weight, "proj_weight": proj_weight}


def reference(tokens, emb_weight, pos_weight, proj_weight):
    B, S = tokens.shape
    scale = math.sqrt(D_MODEL)
    x = jnp.take(emb_weight, tokens, axis=0) * scale
    pos = jnp.take(pos_weight, jnp.arange(S), axis=0) * scale
    x = x + pos[None, :, :]
    x = x @ proj_weight.T
    return x

if __name__ == "__main__":
    import jax
    _d = setup_inputs()
    print(jax.jit(kernel)(*tuple(_d.values())))

</pallas_src>

<mosaic_0001>
#map = affine_map<(d0, d1) -> (0, 0, 0)>
#map1 = affine_map<(d0, d1) -> (0, 0)>
module attributes {stable_mosaic.version = 14 : i64} {
  func.func @k(%arg0: i32, %arg1: i32, %arg2: memref<32x25x128xi32, #tpu.memory_space<hbm>>, %arg3: memref<1000000x128xf32, #tpu.memory_space<hbm>>, %arg4: memref<102400x128xf32, #tpu.memory_space<hbm>>, %arg5: memref<25x128xi32, #tpu.memory_space<vmem>>, %arg6: memref<128x128xf32, #tpu.memory_space<vmem>>, %arg7: memref<128x128xf32, #tpu.memory_space<vmem>>, %arg8: memref<128x128xf32, #tpu.memory_space<vmem>>, %arg9: memref<128x128xf32, #tpu.memory_space<vmem>>, %arg10: memref<128x128xf32, #tpu.memory_space<vmem>>, %arg11: memref<128x128xf32, #tpu.memory_space<vmem>>, %arg12: memref<!tpu.dma_semaphore, #tpu.memory_space<semaphore_mem>>, %arg13: memref<!tpu.dma_semaphore, #tpu.memory_space<semaphore_mem>>, %arg14: memref<!tpu.dma_semaphore, #tpu.memory_space<semaphore_mem>>, %arg15: memref<!tpu.dma_semaphore, #tpu.memory_space<semaphore_mem>>, %arg16: memref<!tpu.dma_semaphore, #tpu.memory_space<semaphore_mem>>, %arg17: memref<!tpu.dma_semaphore, #tpu.memory_space<semaphore_mem>>, %arg18: memref<!tpu.dma_semaphore, #tpu.memory_space<semaphore_mem>>, %arg19: memref<!tpu.dma_semaphore, #tpu.memory_space<semaphore_mem>>, %arg20: memref<!tpu.dma_semaphore, #tpu.memory_space<semaphore_mem>>, %arg21: memref<!tpu.dma_semaphore, #tpu.memory_space<semaphore_mem>>, %arg22: memref<!tpu.dma_semaphore, #tpu.memory_space<semaphore_mem>>, %arg23: memref<!tpu.dma_semaphore, #tpu.memory_space<semaphore_mem>>) attributes {dimension_semantics = [#tpu.dimension_semantics<core_parallel>, #tpu.dimension_semantics<subcore_parallel>], iteration_bounds = array<i64: 2, 16>, scalar_prefetch = 0 : i64, scratch_operands = 19 : i64, tpu.core_type = #tpu.core_type<sc_vector_subcore>, window_params = [{transform_indices = #map}, {transform_indices = #map1}, {transform_indices = #map1}]} {
    %mul3A = arith.constant 2 : i32
    %mul3A_0 = arith.muli %arg1, %mul3A : i32
    %add3A = arith.addi %mul3A_0, %arg0 : i32
    %mul3A_1 = arith.constant 3200 : i32
    %mul3A_2 = arith.muli %add3A, %mul3A_1 : i32
    "tpu.region"() ({
      %run_scoped3A = tpu.sem_alloc : memref<!tpu.dma_semaphore, #tpu.memory_space<semaphore_mem>>
      %dma_start3A_63 = arith.constant 0 : i32
      %dma_start3A_64 = arith.constant 0 : i32
      %dma_start3A_65 = tpu.memref_slice %arg2[%add3A, %dma_start3A_63, %dma_start3A_64] : memref<32x25x128xi32, #tpu.memory_space<hbm>> -> memref<1x25x128xi32, #tpu.memory_space<hbm>>
      %dma_start3A_66 = tpu.memref_squeeze %dma_start3A_65 : memref<1x25x128xi32, #tpu.memory_space<hbm>> -> memref<25x128xi32, #tpu.memory_space<hbm>>
      %dma_start3A_67 = arith.constant 0 : i32
      %dma_start3A_68 = arith.constant 0 : i32
      %dma_start3A_69 = tpu.memref_slice %arg2[%add3A, %dma_start3A_67, %dma_start3A_68] : memref<32x25x128xi32, #tpu.memory_space<hbm>> -> memref<1x25x128xi32, #tpu.memory_space<hbm>>
      %dma_start3A_70 = tpu.memref_squeeze %dma_start3A_69 : memref<1x25x128xi32, #tpu.memory_space<hbm>> -> memref<25x128xi32, #tpu.memory_space<hbm>>
      tpu.enqueue_dma source(%dma_start3A_70 : memref<25x128xi32, #tpu.memory_space<hbm>>) target(%arg5 : memref<25x128xi32, #tpu.memory_space<vmem>>) target_semaphore(%run_scoped3A : memref<!tpu.dma_semaphore, #tpu.memory_space<semaphore_mem>>)
      %dma_wait3A_71 = arith.constant 0 : i32
      %dma_wait3A_72 = arith.constant 0 : i32
      %dma_wait3A_73 = tpu.memref_slice %arg2[%add3A, %dma_wait3A_71, %dma_wait3A_72] : memref<32x25x128xi32, #tpu.memory_space<hbm>> -> memref<1x25x128xi32, #tpu.memory_space<hbm>>
      %dma_wait3A_74 = tpu.memref_squeeze %dma_wait3A_73 : memref<1x25x128xi32, #tpu.memory_space<hbm>> -> memref<25x128xi32, #tpu.memory_space<hbm>>
      %dma_wait3A_75 = arith.constant 0 : i32
      %dma_wait3A_76 = arith.constant 0 : i32
      %dma_wait3A_77 = tpu.memref_slice %arg2[%add3A, %dma_wait3A_75, %dma_wait3A_76] : memref<32x25x128xi32, #tpu.memory_space<hbm>> -> memref<1x25x128xi32, #tpu.memory_space<hbm>>
      %dma_wait3A_78 = tpu.memref_squeeze %dma_wait3A_77 : memref<1x25x128xi32, #tpu.memory_space<hbm>> -> memref<25x128xi32, #tpu.memory_space<hbm>>
      tpu.wait_dma2 semaphore(%run_scoped3A : memref<!tpu.dma_semaphore, #tpu.memory_space<semaphore_mem>>) src(%dma_wait3A_78 : memref<25x128xi32, #tpu.memory_space<hbm>>) dst(%arg5 : memref<25x128xi32, #tpu.memory_space<vmem>>)
      tpu.yield
    }) : () -> ()
    %dma_start3A = arith.constant 0 : i32
    %dma_start3A_3 = arith.constant 0 : i32
    %dma_start3A_4 = tpu.memref_slice %arg5[%dma_start3A, %dma_start3A_3] : memref<25x128xi32, #tpu.memory_space<vmem>> -> memref<1x128xi32, #tpu.memory_space<vmem>>
    %dma_start3A_5 = tpu.memref_squeeze %dma_start3A_4 : memref<1x128xi32, #tpu.memory_space<vmem>> -> memref<128xi32, #tpu.memory_space<vmem>>
    %dma_start3A_6 = arith.constant 0 : i32
    %dma_start3A_7 = arith.constant 0 : i32
    %dma_start3A_8 = tpu.memref_slice %arg3[%dma_start3A_6, %dma_start3A_7] : memref<1000000x128xf32, #tpu.memory_space<hbm>> -> memref<1000000x128xf32, #tpu.memory_space<hbm>>
    tpu.enqueue_indirect_dma source(%dma_start3A_8 : memref<1000000x128xf32, #tpu.memory_space<hbm>>) target(%arg6 : memref<128x128xf32, #tpu.memory_space<vmem>>) offsets(%dma_start3A_5 : memref<128xi32, #tpu.memory_space<vmem>>) semaphore(%arg12 : memref<!tpu.dma_semaphore, #tpu.memory_space<semaphore_mem>>)
    %dma_start3A_9 = arith.constant 1 : i32
    %dma_start3A_10 = arith.constant 0 : i32
    %dma_start3A_11 = tpu.memref_slice %arg5[%dma_start3A_9, %dma_start3A_10] : memref<25x128xi32, #tpu.memory_space<vmem>> -> memref<1x128xi32, #tpu.memory_space<vmem>>
    %dma_start3A_12 = tpu.memref_squeeze %dma_start3A_11 : memref<1x128xi32, #tpu.memory_space<vmem>> -> memref<128xi32, #tpu.memory_space<vmem>>
    %dma_start3A_13 = arith.constant 0 : i32
    %dma_start3A_14 = arith.constant 0 : i32
    %dma_start3A_15 = tpu.memref_slice %arg3[%dma_start3A_13, %dma_start3A_14] : memref<1000000x128xf32, #tpu.memory_space<hbm>> -> memref<1000000x128xf32, #tpu.memory_space<hbm>>
    tpu.enqueue_indirect_dma source(%dma_start3A_15 : memref<1000000x128xf32, #tpu.memory_space<hbm>>) target(%arg7 : memref<128x128xf32, #tpu.memory_space<vmem>>) offsets(%dma_start3A_12 : memref<128xi32, #tpu.memory_space<vmem>>) semaphore(%arg13 : memref<!tpu.dma_semaphore, #tpu.memory_space<semaphore_mem>>)
    %dma_start3A_16 = arith.constant 2 : i32
    %dma_start3A_17 = arith.constant 0 : i32
    %dma_start3A_18 = tpu.memref_slice %arg5[%dma_start3A_16, %dma_start3A_17] : memref<25x128xi32, #tpu.memory_space<vmem>> -> memref<1x128xi32, #tpu.memory_space<vmem>>
    %dma_start3A_19 = tpu.memref_squeeze %dma_start3A_18 : memref<1x128xi32, #tpu.memory_space<vmem>> -> memref<128xi32, #tpu.memory_space<vmem>>
    %dma_start3A_20 = arith.constant 0 : i32
    %dma_start3A_21 = arith.constant 0 : i32
    %dma_start3A_22 = tpu.memref_slice %arg3[%dma_start3A_20, %dma_start3A_21] : memref<1000000x128xf32, #tpu.memory_space<hbm>> -> memref<1000000x128xf32, #tpu.memory_space<hbm>>
    tpu.enqueue_indirect_dma source(%dma_start3A_22 : memref<1000000x128xf32, #tpu.memory_space<hbm>>) target(%arg8 : memref<128x128xf32, #tpu.memory_space<vmem>>) offsets(%dma_start3A_19 : memref<128xi32, #tpu.memory_space<vmem>>) semaphore(%arg14 : memref<!tpu.dma_semaphore, #tpu.memory_space<semaphore_mem>>)
    %scan3A = arith.constant 0 : i32
    %scan3A_23 = arith.constant 0 : i32
    %scan3A_24 = arith.constant 25 : i32
    %scan3A_25 = arith.addi %scan3A_23, %scan3A_24 : i32
    %scan3A_26 = arith.constant 1 : i32
    scf.for %scan3A_63 = %scan3A_23 to %scan3A_25 step %scan3A_26  : i32 {
      %rem3A = arith.constant 6 : i32
      %rem3A_64 = arith.remsi %scan3A_63, %rem3A : i32
      %eq3A = arith.constant 0 : i32
      %eq3A_65 = arith.cmpi eq, %rem3A_64, %eq3A : i32
      %convert_element_type3A = arith.extui %eq3A_65 : i1 to i32
      %cond3A = arith.constant 0 : i32
      %cond3A_66 = arith.cmpi ne, %convert_element_type3A, %cond3A : i32
      scf.if %cond3A_66 {
        %dma_wait3A_102 = arith.constant 0 : i32
        %dma_wait3A_103 = tpu.memref_slice %arg5[%scan3A_63, %dma_wait3A_102] : memref<25x128xi32, #tpu.memory_space<vmem>> -> memref<1x128xi32, #tpu.memory_space<vmem>>
        %dma_wait3A_104 = tpu.memref_squeeze %dma_wait3A_103 : memref<1x128xi32, #tpu.memory_space<vmem>> -> memref<128xi32, #tpu.memory_space<vmem>>
        %dma_wait3A_105 = arith.constant 0 : i32
        %dma_wait3A_106 = arith.constant 0 : i32
        %dma_wait3A_107 = tpu.memref_slice %arg3[%dma_wait3A_105, %dma_wait3A_106] : memref<1000000x128xf32, #tpu.memory_space<hbm>> -> memref<1000000x128xf32, #tpu.memory_space<hbm>>
        tpu.wait_indirect_dma semaphore(%arg12 : memref<!tpu.dma_semaphore, #tpu.memory_space<semaphore_mem>>) src(%dma_wait3A_107 : memref<1000000x128xf32, #tpu.memory_space<hbm>>) dst(%arg6 : memref<128x128xf32, #tpu.memory_space<vmem>>)
        %mul3A_108 = arith.constant 128 : i32
        %mul3A_109 = arith.muli %scan3A_63, %mul3A_108 : i32
        %add3A_110 = arith.addi %mul3A_2, %mul3A_109 : i32
        %dma_start3A_111 = arith.constant 0 : i32
        %dma_start3A_112 = tpu.memref_slice %arg4[%add3A_110, %dma_start3A_111] : memref<102400x128xf32, #tpu.memory_space<hbm>> -> memref<128x128xf32, #tpu.memory_space<hbm>>
        %dma_start3A_113 = arith.constant 0 : i32
        %dma_start3A_114 = tpu.memref_slice %arg4[%add3A_110, %dma_start3A_113] : memref<102400x128xf32, #tpu.memory_space<hbm>> -> memref<128x128xf32, #tpu.memory_space<hbm>>
        tpu.enqueue_dma source(%arg6 : memref<128x128xf32, #tpu.memory_space<vmem>>) target(%dma_start3A_114 : memref<128x128xf32, #tpu.memory_space<hbm>>) target_semaphore(%arg18 : memref<!tpu.dma_semaphore, #tpu.memory_space<semaphore_mem>>)
        %add3A_115 = arith.constant 3 : i32
        %add3A_116 = arith.addi %scan3A_63, %add3A_115 : i32
        %lt3A = arith.constant 25 : i32
        %lt3A_117 = arith.cmpi slt, %add3A_116, %lt3A : i32
        %convert_element_type3A_118 = arith.extui %lt3A_117 : i1 to i32
        %cond3A_119 = arith.constant 0 : i32
        %cond3A_120 = arith.cmpi ne, %convert_element_type3A_118, %cond3A_119 : i32
        scf.if %cond3A_120 {
          %add3A_121 = arith.constant 3 : i32
          %add3A_122 = arith.addi %scan3A_63, %add3A_121 : i32
          %sub3A = arith.constant 6 : i32
          %sub3A_123 = arith.subi %add3A_122, %sub3A : i32
          %ge3A = arith.constant 0 : i32
          %ge3A_124 = arith.cmpi sge, %sub3A_123, %ge3A : i32
          %convert_element_type3A_125 = arith.extui %ge3A_124 : i1 to i32
          %cond3A_126 = arith.constant 0 : i32
          %cond3A_127 = arith.cmpi ne, %convert_element_type3A_125, %cond3A_126 : i32
          scf.if %cond3A_127 {
            %mul3A_136 = arith.constant 128 : i32
            %mul3A_137 = arith.muli %sub3A_123, %mul3A_136 : i32
            %add3A_138 = arith.addi %mul3A_2, %mul3A_137 : i32
            %dma_wait3A_139 = arith.constant 0 : i32
            %dma_wait3A_140 = tpu.memref_slice %arg4[%add3A_138, %dma_wait3A_139] : memref<102400x128xf32, #tpu.memory_space<hbm>> -> memref<128x128xf32, #tpu.memory_space<hbm>>
            %dma_wait3A_141 = arith.constant 0 : i32
            %dma_wait3A_142 = tpu.memref_slice %arg4[%add3A_138, %dma_wait3A_141] : memref<102400x128xf32, #tpu.memory_space<hbm>> -> memref<128x128xf32, #tpu.memory_space<hbm>>
            tpu.wait_dma2 semaphore(%arg21 : memref<!tpu.dma_semaphore, #tpu.memory_space<semaphore_mem>>) src(%arg9 : memref<128x128xf32, #tpu.memory_space<vmem>>) dst(%dma_wait3A_142 : memref<128x128xf32, #tpu.memory_space<hbm>>)
          } else {
          }
          %add3A_128 = arith.constant 3 : i32
          %add3A_129 = arith.addi %scan3A_63, %add3A_128 : i32
          %dma_start3A_130 = arith.constant 0 : i32
          %dma_start3A_131 = tpu.memref_slice %arg5[%add3A_129, %dma_start3A_130] : memref<25x128xi32, #tpu.memory_space<vmem>> -> memref<1x128xi32, #tpu.memory_space<vmem>>
          %dma_start3A_132 = tpu.memref_squeeze %dma_start3A_131 : memref<1x128xi32, #tpu.memory_space<vmem>> -> memref<128xi32, #tpu.memory_space<vmem>>
          %dma_start3A_133 = arith.constant 0 : i32
          %dma_start3A_134 = arith.constant 0 : i32
          %dma_start3A_135 = tpu.memref_slice %arg3[%dma_start3A_133, %dma_start3A_134] : memref<1000000x128xf32, #tpu.memory_space<hbm>> -> memref<1000000x128xf32, #tpu.memory_space<hbm>>
          tpu.enqueue_indirect_dma source(%dma_start3A_135 : memref<1000000x128xf32, #tpu.memory_space<hbm>>) target(%arg9 : memref<128x128xf32, #tpu.memory_space<vmem>>) offsets(%dma_start3A_132 : memref<128xi32, #tpu.memory_space<vmem>>) semaphore(%arg15 : memref<!tpu.dma_semaphore, #tpu.memory_space<semaphore_mem>>)
        } else {
        }
      } else {
      }
      %rem3A_67 = arith.constant 6 : i32
      %rem3A_68 = arith.remsi %scan3A_63, %rem3A_67 : i32
      %eq3A_69 = arith.constant 1 : i32
      %eq3A_70 = arith.cmpi eq, %rem3A_68, %eq3A_69 : i32
      %convert_element_type3A_71 = arith.extui %eq3A_70 : i1 to i32
      %cond3A_72 = arith.constant 0 : i32
      %cond3A_73 = arith.cmpi ne, %convert_element_type3A_71, %cond3A_72 : i32
      scf.if %cond3A_73 {
        %dma_wait3A_102 = arith.constant 0 : i32
        %dma_wait3A_103 = tpu.memref_slice %arg5[%scan3A_63, %dma_wait3A_102] : memref<25x128xi32, #tpu.memory_space<vmem>> -> memref<1x128xi32, #tpu.memory_space<vmem>>
        %dma_wait3A_104 = tpu.memref_squeeze %dma_wait3A_103 : memref<1x128xi32, #tpu.memory_space<vmem>> -> memref<128xi32, #tpu.memory_space<vmem>>
        %dma_wait3A_105 = arith.constant 0 : i32
        %dma_wait3A_106 = arith.constant 0 : i32
        %dma_wait3A_107 = tpu.memref_slice %arg3[%dma_wait3A_105, %dma_wait3A_106] : memref<1000000x128xf32, #tpu.memory_space<hbm>> -> memref<1000000x128xf32, #tpu.memory_space<hbm>>
        tpu.wait_indirect_dma semaphore(%arg13 : memref<!tpu.dma_semaphore, #tpu.memory_space<semaphore_mem>>) src(%dma_wait3A_107 : memref<1000000x128xf32, #tpu.memory_space<hbm>>) dst(%arg7 : memref<128x128xf32, #tpu.memory_space<vmem>>)
        %mul3A_108 = arith.constant 128 : i32
        %mul3A_109 = arith.muli %scan3A_63, %mul3A_108 : i32
        %add3A_110 = arith.addi %mul3A_2, %mul3A_109 : i32
        %dma_start3A_111 = arith.constant 0 : i32
        %dma_start3A_112 = tpu.memref_slice %arg4[%add3A_110, %dma_start3A_111] : memref<102400x128xf32, #tpu.memory_space<hbm>> -> memref<128x128xf32, #tpu.memory_space<hbm>>
        %dma_start3A_113 = arith.constant 0 : i32
        %dma_start3A_114 = tpu.memref_slice %arg4[%add3A_110, %dma_start3A_113] : memref<102400x128xf32, #tpu.memory_space<hbm>> -> memref<128x128xf32, #tpu.memory_space<hbm>>
        tpu.enqueue_dma source(%arg7 : memref<128x128xf32, #tpu.memory_space<vmem>>) target(%dma_start3A_114 : memref<128x128xf32, #tpu.memory_space<hbm>>) target_semaphore(%arg19 : memref<!tpu.dma_semaphore, #tpu.memory_space<semaphore_mem>>)
        %add3A_115 = arith.constant 3 : i32
        %add3A_116 = arith.addi %scan3A_63, %add3A_115 : i32
        %lt3A = arith.constant 25 : i32
        %lt3A_117 = arith.cmpi slt, %add3A_116, %lt3A : i32
        %convert_element_type3A_118 = arith.extui %lt3A_117 : i1 to i32
        %cond3A_119 = arith.constant 0 : i32
        %cond3A_120 = arith.cmpi ne, %convert_element_type3A_118, %cond3A_119 : i32
        scf.if %cond3A_120 {
          %add3A_121 = arith.constant 3 : i32
          %add3A_122 = arith.addi %scan3A_63, %add3A_121 : i32
          %sub3A = arith.constant 6 : i32
          %sub3A_123 = arith.subi %add3A_122, %sub3A : i32
          %ge3A = arith.constant 0 : i32
          %ge3A_124 = arith.cmpi sge, %sub3A_123, %ge3A : i32
          %convert_element_type3A_125 = arith.extui %ge3A_124 : i1 to i32
          %cond3A_126 = arith.constant 0 : i32
          %cond3A_127 = arith.cmpi ne, %convert_element_type3A_125, %cond3A_126 : i32
          scf.if %cond3A_127 {
            %mul3A_136 = arith.constant 128 : i32
            %mul3A_137 = arith.muli %sub3A_123, %mul3A_136 : i32
            %add3A_138 = arith.addi %mul3A_2, %mul3A_137 : i32
            %dma_wait3A_139 = arith.constant 0 : i32
            %dma_wait3A_140 = tpu.memref_slice %arg4[%add3A_138, %dma_wait3A_139] : memref<102400x128xf32, #tpu.memory_space<hbm>> -> memref<128x128xf32, #tpu.memory_space<hbm>>
            %dma_wait3A_141 = arith.constant 0 : i32
            %dma_wait3A_142 = tpu.memref_slice %arg4[%add3A_138, %dma_wait3A_141] : memref<102400x128xf32, #tpu.memory_space<hbm>> -> memref<128x128xf32, #tpu.memory_space<hbm>>
            tpu.wait_dma2 semaphore(%arg22 : memref<!tpu.dma_semaphore, #tpu.memory_space<semaphore_mem>>) src(%arg10 : memref<128x128xf32, #tpu.memory_space<vmem>>) dst(%dma_wait3A_142 : memref<128x128xf32, #tpu.memory_space<hbm>>)
          } else {
          }
          %add3A_128 = arith.constant 3 : i32
          %add3A_129 = arith.addi %scan3A_63, %add3A_128 : i32
          %dma_start3A_130 = arith.constant 0 : i32
          %dma_start3A_131 = tpu.memref_slice %arg5[%add3A_129, %dma_start3A_130] : memref<25x128xi32, #tpu.memory_space<vmem>> -> memref<1x128xi32, #tpu.memory_space<vmem>>
          %dma_start3A_132 = tpu.memref_squeeze %dma_start3A_131 : memref<1x128xi32, #tpu.memory_space<vmem>> -> memref<128xi32, #tpu.memory_space<vmem>>
          %dma_start3A_133 = arith.constant 0 : i32
          %dma_start3A_134 = arith.constant 0 : i32
          %dma_start3A_135 = tpu.memref_slice %arg3[%dma_start3A_133, %dma_start3A_134] : memref<1000000x128xf32, #tpu.memory_space<hbm>> -> memref<1000000x128xf32, #tpu.memory_space<hbm>>
          tpu.enqueue_indirect_dma source(%dma_start3A_135 : memref<1000000x128xf32, #tpu.memory_space<hbm>>) target(%arg10 : memref<128x128xf32, #tpu.memory_space<vmem>>) offsets(%dma_start3A_132 : memref<128xi32, #tpu.memory_space<vmem>>) semaphore(%arg16 : memref<!tpu.dma_semaphore, #tpu.memory_space<semaphore_mem>>)
        } else {
        }
      } else {
      }
      %rem3A_74 = arith.constant 6 : i32
      %rem3A_75 = arith.remsi %scan3A_63, %rem3A_74 : i32
      %eq3A_76 = arith.constant 2 : i32
      %eq3A_77 = arith.cmpi eq, %rem3A_75, %eq3A_76 : i32
      %convert_element_type3A_78 = arith.extui %eq3A_77 : i1 to i32
      %cond3A_79 = arith.constant 0 : i32
      %cond3A_80 = arith.cmpi ne, %convert_element_type3A_78, %cond3A_79 : i32
      scf.if %cond3A_80 {
        %dma_wait3A_102 = arith.constant 0 : i32
        %dma_wait3A_103 = tpu.memref_slice %arg5[%scan3A_63, %dma_wait3A_102] : memref<25x128xi32, #tpu.memory_space<vmem>> -> memref<1x128xi32, #tpu.memory_space<vmem>>
        %dma_wait3A_104 = tpu.memref_squeeze %dma_wait3A_103 : memref<1x128xi32, #tpu.memory_space<vmem>> -> memref<128xi32, #tpu.memory_space<vmem>>
        %dma_wait3A_105 = arith.constant 0 : i32
        %dma_wait3A_106 = arith.constant 0 : i32
        %dma_wait3A_107 = tpu.memref_slice %arg3[%dma_wait3A_105, %dma_wait3A_106] : memref<1000000x128xf32, #tpu.memory_space<hbm>> -> memref<1000000x128xf32, #tpu.memory_space<hbm>>
        tpu.wait_indirect_dma semaphore(%arg14 : memref<!tpu.dma_semaphore, #tpu.memory_space<semaphore_mem>>) src(%dma_wait3A_107 : memref<1000000x128xf32, #tpu.memory_space<hbm>>) dst(%arg8 : memref<128x128xf32, #tpu.memory_space<vmem>>)
        %mul3A_108 = arith.constant 128 : i32
        %mul3A_109 = arith.muli %scan3A_63, %mul3A_108 : i32
        %add3A_110 = arith.addi %mul3A_2, %mul3A_109 : i32
        %dma_start3A_111 = arith.constant 0 : i32
        %dma_start3A_112 = tpu.memref_slice %arg4[%add3A_110, %dma_start3A_111] : memref<102400x128xf32, #tpu.memory_space<hbm>> -> memref<128x128xf32, #tpu.memory_space<hbm>>
        %dma_start3A_113 = arith.constant 0 : i32
        %dma_start3A_114 = tpu.memref_slice %arg4[%add3A_110, %dma_start3A_113] : memref<102400x128xf32, #tpu.memory_space<hbm>> -> memref<128x128xf32, #tpu.memory_space<hbm>>
        tpu.enqueue_dma source(%arg8 : memref<128x128xf32, #tpu.memory_space<vmem>>) target(%dma_start3A_114 : memref<128x128xf32, #tpu.memory_space<hbm>>) target_semaphore(%arg20 : memref<!tpu.dma_semaphore, #tpu.memory_space<semaphore_mem>>)
        %add3A_115 = arith.constant 3 : i32
        %add3A_116 = arith.addi %scan3A_63, %add3A_115 : i32
        %lt3A = arith.constant 25 : i32
        %lt3A_117 = arith.cmpi slt, %add3A_116, %lt3A : i32
        %convert_element_type3A_118 = arith.extui %lt3A_117 : i1 to i32
        %cond3A_119 = arith.constant 0 : i32
        %cond3A_120 = arith.cmpi ne, %convert_element_type3A_118, %cond3A_119 : i32
        scf.if %cond3A_120 {
          %add3A_121 = arith.constant 3 : i32
          %add3A_122 = arith.addi %scan3A_63, %add3A_121 : i32
          %sub3A = arith.constant 6 : i32
          %sub3A_123 = arith.subi %add3A_122, %sub3A : i32
          %ge3A = arith.constant 0 : i32
          %ge3A_124 = arith.cmpi sge, %sub3A_123, %ge3A : i32
          %convert_element_type3A_125 = arith.extui %ge3A_124 : i1 to i32
          %cond3A_126 = arith.constant 0 : i32
          %cond3A_127 = arith.cmpi ne, %convert_element_type3A_125, %cond3A_126 : i32
          scf.if %cond3A_127 {
            %mul3A_136 = arith.constant 128 : i32
            %mul3A_137 = arith.muli %sub3A_123, %mul3A_136 : i32
            %add3A_138 = arith.addi %mul3A_2, %mul3A_137 : i32
            %dma_wait3A_139 = arith.constant 0 : i32
            %dma_wait3A_140 = tpu.memref_slice %arg4[%add3A_138, %dma_wait3A_139] : memref<102400x128xf32, #tpu.memory_space<hbm>> -> memref<128x128xf32, #tpu.memory_space<hbm>>
            %dma_wait3A_141 = arith.constant 0 : i32
            %dma_wait3A_142 = tpu.memref_slice %arg4[%add3A_138, %dma_wait3A_141] : memref<102400x128xf32, #tpu.memory_space<hbm>> -> memref<128x128xf32, #tpu.memory_space<hbm>>
            tpu.wait_dma2 semaphore(%arg23 : memref<!tpu.dma_semaphore, #tpu.memory_space<semaphore_mem>>) src(%arg11 : memref<128x128xf32, #tpu.memory_space<vmem>>) dst(%dma_wait3A_142 : memref<128x128xf32, #tpu.memory_space<hbm>>)
          } else {
          }
          %add3A_128 = arith.constant 3 : i32
          %add3A_129 = arith.addi %scan3A_63, %add3A_128 : i32
          %dma_start3A_130 = arith.constant 0 : i32
          %dma_start3A_131 = tpu.memref_slice %arg5[%add3A_129, %dma_start3A_130] : memref<25x128xi32, #tpu.memory_space<vmem>> -> memref<1x128xi32, #tpu.memory_space<vmem>>
          %dma_start3A_132 = tpu.memref_squeeze %dma_start3A_131 : memref<1x128xi32, #tpu.memory_space<vmem>> -> memref<128xi32, #tpu.memory_space<vmem>>
          %dma_start3A_133 = arith.constant 0 : i32
          %dma_start3A_134 = arith.constant 0 : i32
          %dma_start3A_135 = tpu.memref_slice %arg3[%dma_start3A_133, %dma_start3A_134] : memref<1000000x128xf32, #tpu.memory_space<hbm>> -> memref<1000000x128xf32, #tpu.memory_space<hbm>>
          tpu.enqueue_indirect_dma source(%dma_start3A_135 : memref<1000000x128xf32, #tpu.memory_space<hbm>>) target(%arg11 : memref<128x128xf32, #tpu.memory_space<vmem>>) offsets(%dma_start3A_132 : memref<128xi32, #tpu.memory_space<vmem>>) semaphore(%arg17 : memref<!tpu.dma_semaphore, #tpu.memory_space<semaphore_mem>>)
        } else {
        }
      } else {
      }
      %rem3A_81 = arith.constant 6 : i32
      %rem3A_82 = arith.remsi %scan3A_63, %rem3A_81 : i32
      %eq3A_83 = arith.constant 3 : i32
      %eq3A_84 = arith.cmpi eq, %rem3A_82, %eq3A_83 : i32
      %convert_element_type3A_85 = arith.extui %eq3A_84 : i1 to i32
      %cond3A_86 = arith.constant 0 : i32
      %cond3A_87 = arith.cmpi ne, %convert_element_type3A_85, %cond3A_86 : i32
      scf.if %cond3A_87 {
        %dma_wait3A_102 = arith.constant 0 : i32
        %dma_wait3A_103 = tpu.memref_slice %arg5[%scan3A_63, %dma_wait3A_102] : memref<25x128xi32, #tpu.memory_space<vmem>> -> memref<1x128xi32, #tpu.memory_space<vmem>>
        %dma_wait3A_104 = tpu.memref_squeeze %dma_wait3A_103 : memref<1x128xi32, #tpu.memory_space<vmem>> -> memref<128xi32, #tpu.memory_space<vmem>>
        %dma_wait3A_105 = arith.constant 0 : i32
        %dma_wait3A_106 = arith.constant 0 : i32
        %dma_wait3A_107 = tpu.memref_slice %arg3[%dma_wait3A_105, %dma_wait3A_106] : memref<1000000x128xf32, #tpu.memory_space<hbm>> -> memref<1000000x128xf32, #tpu.memory_space<hbm>>
        tpu.wait_indirect_dma semaphore(%arg15 : memref<!tpu.dma_semaphore, #tpu.memory_space<semaphore_mem>>) src(%dma_wait3A_107 : memref<1000000x128xf32, #tpu.memory_space<hbm>>) dst(%arg9 : memref<128x128xf32, #tpu.memory_space<vmem>>)
        %mul3A_108 = arith.constant 128 : i32
        %mul3A_109 = arith.muli %scan3A_63, %mul3A_108 : i32
        %add3A_110 = arith.addi %mul3A_2, %mul3A_109 : i32
        %dma_start3A_111 = arith.constant 0 : i32
        %dma_start3A_112 = tpu.memref_slice %arg4[%add3A_110, %dma_start3A_111] : memref<102400x128xf32, #tpu.memory_space<hbm>> -> memref<128x128xf32, #tpu.memory_space<hbm>>
        %dma_start3A_113 = arith.constant 0 : i32
        %dma_start3A_114 = tpu.memref_slice %arg4[%add3A_110, %dma_start3A_113] : memref<102400x128xf32, #tpu.memory_space<hbm>> -> memref<128x128xf32, #tpu.memory_space<hbm>>
        tpu.enqueue_dma source(%arg9 : memref<128x128xf32, #tpu.memory_space<vmem>>) target(%dma_start3A_114 : memref<128x128xf32, #tpu.memory_space<hbm>>) target_semaphore(%arg21 : memref<!tpu.dma_semaphore, #tpu.memory_space<semaphore_mem>>)
        %add3A_115 = arith.constant 3 : i32
        %add3A_116 = arith.addi %scan3A_63, %add3A_115 : i32
        %lt3A = arith.constant 25 : i32
        %lt3A_117 = arith.cmpi slt, %add3A_116, %lt3A : i32
        %convert_element_type3A_118 = arith.extui %lt3A_117 : i1 to i32
        %cond3A_119 = arith.constant 0 : i32
        %cond3A_120 = arith.cmpi ne, %convert_element_type3A_118, %cond3A_119 : i32
        scf.if %cond3A_120 {
          %add3A_121 = arith.constant 3 : i32
          %add3A_122 = arith.addi %scan3A_63, %add3A_121 : i32
          %sub3A = arith.constant 6 : i32
          %sub3A_123 = arith.subi %add3A_122, %sub3A : i32
          %ge3A = arith.constant 0 : i32
          %ge3A_124 = arith.cmpi sge, %sub3A_123, %ge3A : i32
          %convert_element_type3A_125 = arith.extui %ge3A_124 : i1 to i32
          %cond3A_126 = arith.constant 0 : i32
          %cond3A_127 = arith.cmpi ne, %convert_element_type3A_125, %cond3A_126 : i32
          scf.if %cond3A_127 {
            %mul3A_136 = arith.constant 128 : i32
            %mul3A_137 = arith.muli %sub3A_123, %mul3A_136 : i32
            %add3A_138 = arith.addi %mul3A_2, %mul3A_137 : i32
            %dma_wait3A_139 = arith.constant 0 : i32
            %dma_wait3A_140 = tpu.memref_slice %arg4[%add3A_138, %dma_wait3A_139] : memref<102400x128xf32, #tpu.memory_space<hbm>> -> memref<128x128xf32, #tpu.memory_space<hbm>>
            %dma_wait3A_141 = arith.constant 0 : i32
            %dma_wait3A_142 = tpu.memref_slice %arg4[%add3A_138, %dma_wait3A_141] : memref<102400x128xf32, #tpu.memory_space<hbm>> -> memref<128x128xf32, #tpu.memory_space<hbm>>
            tpu.wait_dma2 semaphore(%arg18 : memref<!tpu.dma_semaphore, #tpu.memory_space<semaphore_mem>>) src(%arg6 : memref<128x128xf32, #tpu.memory_space<vmem>>) dst(%dma_wait3A_142 : memref<128x128xf32, #tpu.memory_space<hbm>>)
          } else {
          }
          %add3A_128 = arith.constant 3 : i32
          %add3A_129 = arith.addi %scan3A_63, %add3A_128 : i32
          %dma_start3A_130 = arith.constant 0 : i32
          %dma_start3A_131 = tpu.memref_slice %arg5[%add3A_129, %dma_start3A_130] : memref<25x128xi32, #tpu.memory_space<vmem>> -> memref<1x128xi32, #tpu.memory_space<vmem>>
          %dma_start3A_132 = tpu.memref_squeeze %dma_start3A_131 : memref<1x128xi32, #tpu.memory_space<vmem>> -> memref<128xi32, #tpu.memory_space<vmem>>
          %dma_start3A_133 = arith.constant 0 : i32
          %dma_start3A_134 = arith.constant 0 : i32
          %dma_start3A_135 = tpu.memref_slice %arg3[%dma_start3A_133, %dma_start3A_134] : memref<1000000x128xf32, #tpu.memory_space<hbm>> -> memref<1000000x128xf32, #tpu.memory_space<hbm>>
          tpu.enqueue_indirect_dma source(%dma_start3A_135 : memref<1000000x128xf32, #tpu.memory_space<hbm>>) target(%arg6 : memref<128x128xf32, #tpu.memory_space<vmem>>) offsets(%dma_start3A_132 : memref<128xi32, #tpu.memory_space<vmem>>) semaphore(%arg12 : memref<!tpu.dma_semaphore, #tpu.memory_space<semaphore_mem>>)
        } else {
        }
      } else {
      }
      %rem3A_88 = arith.constant 6 : i32
      %rem3A_89 = arith.remsi %scan3A_63, %rem3A_88 : i32
      %eq3A_90 = arith.constant 4 : i32
      %eq3A_91 = arith.cmpi eq, %rem3A_89, %eq3A_90 : i32
      %convert_element_type3A_92 = arith.extui %eq3A_91 : i1 to i32
      %cond3A_93 = arith.constant 0 : i32
      %cond3A_94 = arith.cmpi ne, %convert_element_type3A_92, %cond3A_93 : i32
      scf.if %cond3A_94 {
        %dma_wait3A_102 = arith.constant 0 : i32
        %dma_wait3A_103 = tpu.memref_slice %arg5[%scan3A_63, %dma_wait3A_102] : memref<25x128xi32, #tpu.memory_space<vmem>> -> memref<1x128xi32, #tpu.memory_space<vmem>>
        %dma_wait3A_104 = tpu.memref_squeeze %dma_wait3A_103 : memref<1x128xi32, #tpu.memory_space<vmem>> -> memref<128xi32, #tpu.memory_space<vmem>>
        %dma_wait3A_105 = arith.constant 0 : i32
        %dma_wait3A_106 = arith.constant 0 : i32
        %dma_wait3A_107 = tpu.memref_slice %arg3[%dma_wait3A_105, %dma_wait3A_106] : memref<1000000x128xf32, #tpu.memory_space<hbm>> -> memref<1000000x128xf32, #tpu.memory_space<hbm>>
        tpu.wait_indirect_dma semaphore(%arg16 : memref<!tpu.dma_semaphore, #tpu.memory_space<semaphore_mem>>) src(%dma_wait3A_107 : memref<1000000x128xf32, #tpu.memory_space<hbm>>) dst(%arg10 : memref<128x128xf32, #tpu.memory_space<vmem>>)
        %mul3A_108 = arith.constant 128 : i32
        %mul3A_109 = arith.muli %scan3A_63, %mul3A_108 : i32
        %add3A_110 = arith.addi %mul3A_2, %mul3A_109 : i32
        %dma_start3A_111 = arith.constant 0 : i32
        %dma_start3A_112 = tpu.memref_slice %arg4[%add3A_110, %dma_start3A_111] : memref<102400x128xf32, #tpu.memory_space<hbm>> -> memref<128x128xf32, #tpu.memory_space<hbm>>
        %dma_start3A_113 = arith.constant 0 : i32
        %dma_start3A_114 = tpu.memref_slice %arg4[%add3A_110, %dma_start3A_113] : memref<102400x128xf32, #tpu.memory_space<hbm>> -> memref<128x128xf32, #tpu.memory_space<hbm>>
        tpu.enqueue_dma source(%arg10 : memref<128x128xf32, #tpu.memory_space<vmem>>) target(%dma_start3A_114 : memref<128x128xf32, #tpu.memory_space<hbm>>) target_semaphore(%arg22 : memref<!tpu.dma_semaphore, #tpu.memory_space<semaphore_mem>>)
        %add3A_115 = arith.constant 3 : i32
        %add3A_116 = arith.addi %scan3A_63, %add3A_115 : i32
        %lt3A = arith.constant 25 : i32
        %lt3A_117 = arith.cmpi slt, %add3A_116, %lt3A : i32
        %convert_element_type3A_118 = arith.extui %lt3A_117 : i1 to i32
        %cond3A_119 = arith.constant 0 : i32
        %cond3A_120 = arith.cmpi ne, %convert_element_type3A_118, %cond3A_119 : i32
        scf.if %cond3A_120 {
          %add3A_121 = arith.constant 3 : i32
          %add3A_122 = arith.addi %scan3A_63, %add3A_121 : i32
          %sub3A = arith.constant 6 : i32
          %sub3A_123 = arith.subi %add3A_122, %sub3A : i32
          %ge3A = arith.constant 0 : i32
          %ge3A_124 = arith.cmpi sge, %sub3A_123, %ge3A : i32
          %convert_element_type3A_125 = arith.extui %ge3A_124 : i1 to i32
          %cond3A_126 = arith.constant 0 : i32
          %cond3A_127 = arith.cmpi ne, %convert_element_type3A_125, %cond3A_126 : i32
          scf.if %cond3A_127 {
            %mul3A_136 = arith.constant 128 : i32
            %mul3A_137 = arith.muli %sub3A_123, %mul3A_136 : i32
            %add3A_138 = arith.addi %mul3A_2, %mul3A_137 : i32
            %dma_wait3A_139 = arith.constant 0 : i32
            %dma_wait3A_140 = tpu.memref_slice %arg4[%add3A_138, %dma_wait3A_139] : memref<102400x128xf32, #tpu.memory_space<hbm>> -> memref<128x128xf32, #tpu.memory_space<hbm>>
            %dma_wait3A_141 = arith.constant 0 : i32
            %dma_wait3A_142 = tpu.memref_slice %arg4[%add3A_138, %dma_wait3A_141] : memref<102400x128xf32, #tpu.memory_space<hbm>> -> memref<128x128xf32, #tpu.memory_space<hbm>>
            tpu.wait_dma2 semaphore(%arg19 : memref<!tpu.dma_semaphore, #tpu.memory_space<semaphore_mem>>) src(%arg7 : memref<128x128xf32, #tpu.memory_space<vmem>>) dst(%dma_wait3A_142 : memref<128x128xf32, #tpu.memory_space<hbm>>)
          } else {
          }
          %add3A_128 = arith.constant 3 : i32
          %add3A_129 = arith.addi %scan3A_63, %add3A_128 : i32
          %dma_start3A_130 = arith.constant 0 : i32
          %dma_start3A_131 = tpu.memref_slice %arg5[%add3A_129, %dma_start3A_130] : memref<25x128xi32, #tpu.memory_space<vmem>> -> memref<1x128xi32, #tpu.memory_space<vmem>>
          %dma_start3A_132 = tpu.memref_squeeze %dma_start3A_131 : memref<1x128xi32, #tpu.memory_space<vmem>> -> memref<128xi32, #tpu.memory_space<vmem>>
          %dma_start3A_133 = arith.constant 0 : i32
          %dma_start3A_134 = arith.constant 0 : i32
          %dma_start3A_135 = tpu.memref_slice %arg3[%dma_start3A_133, %dma_start3A_134] : memref<1000000x128xf32, #tpu.memory_space<hbm>> -> memref<1000000x128xf32, #tpu.memory_space<hbm>>
          tpu.enqueue_indirect_dma source(%dma_start3A_135 : memref<1000000x128xf32, #tpu.memory_space<hbm>>) target(%arg7 : memref<128x128xf32, #tpu.memory_space<vmem>>) offsets(%dma_start3A_132 : memref<128xi32, #tpu.memory_space<vmem>>) semaphore(%arg13 : memref<!tpu.dma_semaphore, #tpu.memory_space<semaphore_mem>>)
        } else {
        }
      } else {
      }
      %rem3A_95 = arith.constant 6 : i32
      %rem3A_96 = arith.remsi %scan3A_63, %rem3A_95 : i32
      %eq3A_97 = arith.constant 5 : i32
      %eq3A_98 = arith.cmpi eq, %rem3A_96, %eq3A_97 : i32
      %convert_element_type3A_99 = arith.extui %eq3A_98 : i1 to i32
      %cond3A_100 = arith.constant 0 : i32
      %cond3A_101 = arith.cmpi ne, %convert_element_type3A_99, %cond3A_100 : i32
      scf.if %cond3A_101 {
        %dma_wait3A_102 = arith.constant 0 : i32
        %dma_wait3A_103 = tpu.memref_slice %arg5[%scan3A_63, %dma_wait3A_102] : memref<25x128xi32, #tpu.memory_space<vmem>> -> memref<1x128xi32, #tpu.memory_space<vmem>>
        %dma_wait3A_104 = tpu.memref_squeeze %dma_wait3A_103 : memref<1x128xi32, #tpu.memory_space<vmem>> -> memref<128xi32, #tpu.memory_space<vmem>>
        %dma_wait3A_105 = arith.constant 0 : i32
        %dma_wait3A_106 = arith.constant 0 : i32
        %dma_wait3A_107 = tpu.memref_slice %arg3[%dma_wait3A_105, %dma_wait3A_106] : memref<1000000x128xf32, #tpu.memory_space<hbm>> -> memref<1000000x128xf32, #tpu.memory_space<hbm>>
        tpu.wait_indirect_dma semaphore(%arg17 : memref<!tpu.dma_semaphore, #tpu.memory_space<semaphore_mem>>) src(%dma_wait3A_107 : memref<1000000x128xf32, #tpu.memory_space<hbm>>) dst(%arg11 : memref<128x128xf32, #tpu.memory_space<vmem>>)
        %mul3A_108 = arith.constant 128 : i32
        %mul3A_109 = arith.muli %scan3A_63, %mul3A_108 : i32
        %add3A_110 = arith.addi %mul3A_2, %mul3A_109 : i32
        %dma_start3A_111 = arith.constant 0 : i32
        %dma_start3A_112 = tpu.memref_slice %arg4[%add3A_110, %dma_start3A_111] : memref<102400x128xf32, #tpu.memory_space<hbm>> -> memref<128x128xf32, #tpu.memory_space<hbm>>
        %dma_start3A_113 = arith.constant 0 : i32
        %dma_start3A_114 = tpu.memref_slice %arg4[%add3A_110, %dma_start3A_113] : memref<102400x128xf32, #tpu.memory_space<hbm>> -> memref<128x128xf32, #tpu.memory_space<hbm>>
        tpu.enqueue_dma source(%arg11 : memref<128x128xf32, #tpu.memory_space<vmem>>) target(%dma_start3A_114 : memref<128x128xf32, #tpu.memory_space<hbm>>) target_semaphore(%arg23 : memref<!tpu.dma_semaphore, #tpu.memory_space<semaphore_mem>>)
        %add3A_115 = arith.constant 3 : i32
        %add3A_116 = arith.addi %scan3A_63, %add3A_115 : i32
        %lt3A = arith.constant 25 : i32
        %lt3A_117 = arith.cmpi slt, %add3A_116, %lt3A : i32
        %convert_element_type3A_118 = arith.extui %lt3A_117 : i1 to i32
        %cond3A_119 = arith.constant 0 : i32
        %cond3A_120 = arith.cmpi ne, %convert_element_type3A_118, %cond3A_119 : i32
        scf.if %cond3A_120 {
          %add3A_121 = arith.constant 3 : i32
          %add3A_122 = arith.addi %scan3A_63, %add3A_121 : i32
          %sub3A = arith.constant 6 : i32
          %sub3A_123 = arith.subi %add3A_122, %sub3A : i32
          %ge3A = arith.constant 0 : i32
          %ge3A_124 = arith.cmpi sge, %sub3A_123, %ge3A : i32
          %convert_element_type3A_125 = arith.extui %ge3A_124 : i1 to i32
          %cond3A_126 = arith.constant 0 : i32
          %cond3A_127 = arith.cmpi ne, %convert_element_type3A_125, %cond3A_126 : i32
          scf.if %cond3A_127 {
            %mul3A_136 = arith.constant 128 : i32
            %mul3A_137 = arith.muli %sub3A_123, %mul3A_136 : i32
            %add3A_138 = arith.addi %mul3A_2, %mul3A_137 : i32
            %dma_wait3A_139 = arith.constant 0 : i32
            %dma_wait3A_140 = tpu.memref_slice %arg4[%add3A_138, %dma_wait3A_139] : memref<102400x128xf32, #tpu.memory_space<hbm>> -> memref<128x128xf32, #tpu.memory_space<hbm>>
            %dma_wait3A_141 = arith.constant 0 : i32
            %dma_wait3A_142 = tpu.memref_slice %arg4[%add3A_138, %dma_wait3A_141] : memref<102400x128xf32, #tpu.memory_space<hbm>> -> memref<128x128xf32, #tpu.memory_space<hbm>>
            tpu.wait_dma2 semaphore(%arg20 : memref<!tpu.dma_semaphore, #tpu.memory_space<semaphore_mem>>) src(%arg8 : memref<128x128xf32, #tpu.memory_space<vmem>>) dst(%dma_wait3A_142 : memref<128x128xf32, #tpu.memory_space<hbm>>)
          } else {
          }
          %add3A_128 = arith.constant 3 : i32
          %add3A_129 = arith.addi %scan3A_63, %add3A_128 : i32
          %dma_start3A_130 = arith.constant 0 : i32
          %dma_start3A_131 = tpu.memref_slice %arg5[%add3A_129, %dma_start3A_130] : memref<25x128xi32, #tpu.memory_space<vmem>> -> memref<1x128xi32, #tpu.memory_space<vmem>>
          %dma_start3A_132 = tpu.memref_squeeze %dma_start3A_131 : memref<1x128xi32, #tpu.memory_space<vmem>> -> memref<128xi32, #tpu.memory_space<vmem>>
          %dma_start3A_133 = arith.constant 0 : i32
          %dma_start3A_134 = arith.constant 0 : i32
          %dma_start3A_135 = tpu.memref_slice %arg3[%dma_start3A_133, %dma_start3A_134] : memref<1000000x128xf32, #tpu.memory_space<hbm>> -> memref<1000000x128xf32, #tpu.memory_space<hbm>>
          tpu.enqueue_indirect_dma source(%dma_start3A_135 : memref<1000000x128xf32, #tpu.memory_space<hbm>>) target(%arg8 : memref<128x128xf32, #tpu.memory_space<vmem>>) offsets(%dma_start3A_132 : memref<128xi32, #tpu.memory_space<vmem>>) semaphore(%arg14 : memref<!tpu.dma_semaphore, #tpu.memory_space<semaphore_mem>>)
        } else {
        }
      } else {
      }
    }
    %scan3A_27 = arith.constant 25 : i32
    %dma_wait3A = arith.constant 0 : i32
    %dma_wait3A_28 = arith.constant 0 : i32
    %dma_wait3A_29 = tpu.memref_slice %arg4[%dma_wait3A, %dma_wait3A_28] : memref<102400x128xf32, #tpu.memory_space<hbm>> -> memref<128x128xf32, #tpu.memory_space<hbm>>
    %dma_wait3A_30 = arith.constant 0 : i32
    %dma_wait3A_31 = arith.constant 0 : i32
    %dma_wait3A_32 = tpu.memref_slice %arg4[%dma_wait3A_30, %dma_wait3A_31] : memref<102400x128xf32, #tpu.memory_space<hbm>> -> memref<128x128xf32, #tpu.memory_space<hbm>>
    tpu.wait_dma2 semaphore(%arg18 : memref<!tpu.dma_semaphore, #tpu.memory_space<semaphore_mem>>) src(%arg6 : memref<128x128xf32, #tpu.memory_space<vmem>>) dst(%dma_wait3A_32 : memref<128x128xf32, #tpu.memory_space<hbm>>)
    %dma_wait3A_33 = arith.constant 0 : i32
    %dma_wait3A_34 = arith.constant 0 : i32
    %dma_wait3A_35 = tpu.memref_slice %arg4[%dma_wait3A_33, %dma_wait3A_34] : memref<102400x128xf32, #tpu.memory_space<hbm>> -> memref<128x128xf32, #tpu.memory_space<hbm>>
    %dma_wait3A_36 = arith.constant 0 : i32
    %dma_wait3A_37 = arith.constant 0 : i32
    %dma_wait3A_38 = tpu.memref_slice %arg4[%dma_wait3A_36, %dma_wait3A_37] : memref<102400x128xf32, #tpu.memory_space<hbm>> -> memref<128x128xf32, #tpu.memory_space<hbm>>
    tpu.wait_dma2 semaphore(%arg19 : memref<!tpu.dma_semaphore, #tpu.memory_space<semaphore_mem>>) src(%arg7 : memref<128x128xf32, #tpu.memory_space<vmem>>) dst(%dma_wait3A_38 : memref<128x128xf32, #tpu.memory_space<hbm>>)
    %dma_wait3A_39 = arith.constant 0 : i32
    %dma_wait3A_40 = arith.constant 0 : i32
    %dma_wait3A_41 = tpu.memref_slice %arg4[%dma_wait3A_39, %dma_wait3A_40] : memref<102400x128xf32, #tpu.memory_space<hbm>> -> memref<128x128xf32, #tpu.memory_space<hbm>>
    %dma_wait3A_42 = arith.constant 0 : i32
    %dma_wait3A_43 = arith.constant 0 : i32
    %dma_wait3A_44 = tpu.memref_slice %arg4[%dma_wait3A_42, %dma_wait3A_43] : memref<102400x128xf32, #tpu.memory_space<hbm>> -> memref<128x128xf32, #tpu.memory_space<hbm>>
    tpu.wait_dma2 semaphore(%arg20 : memref<!tpu.dma_semaphore, #tpu.memory_space<semaphore_mem>>) src(%arg8 : memref<128x128xf32, #tpu.memory_space<vmem>>) dst(%dma_wait3A_44 : memref<128x128xf32, #tpu.memory_space<hbm>>)
    %dma_wait3A_45 = arith.constant 0 : i32
    %dma_wait3A_46 = arith.constant 0 : i32
    %dma_wait3A_47 = tpu.memref_slice %arg4[%dma_wait3A_45, %dma_wait3A_46] : memref<102400x128xf32, #tpu.memory_space<hbm>> -> memref<128x128xf32, #tpu.memory_space<hbm>>
    %dma_wait3A_48 = arith.constant 0 : i32
    %dma_wait3A_49 = arith.constant 0 : i32
    %dma_wait3A_50 = tpu.memref_slice %arg4[%dma_wait3A_48, %dma_wait3A_49] : memref<102400x128xf32, #tpu.memory_space<hbm>> -> memref<128x128xf32, #tpu.memory_space<hbm>>
    tpu.wait_dma2 semaphore(%arg21 : memref<!tpu.dma_semaphore, #tpu.memory_space<semaphore_mem>>) src(%arg9 : memref<128x128xf32, #tpu.memory_space<vmem>>) dst(%dma_wait3A_50 : memref<128x128xf32, #tpu.memory_space<hbm>>)
    %dma_wait3A_51 = arith.constant 0 : i32
    %dma_wait3A_52 = arith.constant 0 : i32
    %dma_wait3A_53 = tpu.memref_slice %arg4[%dma_wait3A_51, %dma_wait3A_52] : memref<102400x128xf32, #tpu.memory_space<hbm>> -> memref<128x128xf32, #tpu.memory_space<hbm>>
    %dma_wait3A_54 = arith.constant 0 : i32
    %dma_wait3A_55 = arith.constant 0 : i32
    %dma_wait3A_56 = tpu.memref_slice %arg4[%dma_wait3A_54, %dma_wait3A_55] : memref<102400x128xf32, #tpu.memory_space<hbm>> -> memref<128x128xf32, #tpu.memory_space<hbm>>
    tpu.wait_dma2 semaphore(%arg22 : memref<!tpu.dma_semaphore, #tpu.memory_space<semaphore_mem>>) src(%arg10 : memref<128x128xf32, #tpu.memory_space<vmem>>) dst(%dma_wait3A_56 : memref<128x128xf32, #tpu.memory_space<hbm>>)
    %dma_wait3A_57 = arith.constant 0 : i32
    %dma_wait3A_58 = arith.constant 0 : i32
    %dma_wait3A_59 = tpu.memref_slice %arg4[%dma_wait3A_57, %dma_wait3A_58] : memref<102400x128xf32, #tpu.memory_space<hbm>> -> memref<128x128xf32, #tpu.memory_space<hbm>>
    %dma_wait3A_60 = arith.constant 0 : i32
    %dma_wait3A_61 = arith.constant 0 : i32
    %dma_wait3A_62 = tpu.memref_slice %arg4[%dma_wait3A_60, %dma_wait3A_61] : memref<102400x128xf32, #tpu.memory_space<hbm>> -> memref<128x128xf32, #tpu.memory_space<hbm>>
    tpu.wait_dma2 semaphore(%arg23 : memref<!tpu.dma_semaphore, #tpu.memory_space<semaphore_mem>>) src(%arg11 : memref<128x128xf32, #tpu.memory_space<vmem>>) dst(%dma_wait3A_62 : memref<128x128xf32, #tpu.memory_space<hbm>>)
    return
  }
}

#map = affine_map<(d0, d1) -> (0, 0, 0)>
#map1 = affine_map<(d0, d1) -> (0, 0)>
module attributes {stable_mosaic.version = 14 : i64} {
  func.func @k(%arg0: i32, %arg1: i32, %arg2: memref<32x25x128xi32, #tpu.memory_space<hbm>>, %arg3: memref<1000000x128xf32, #tpu.memory_space<hbm>>, %arg4: memref<102400x128xf32, #tpu.memory_space<hbm>>, %arg5: memref<25x128xi32, #tpu.memory_space<vmem>>, %arg6: memref<128x128xf32, #tpu.memory_space<vmem>>, %arg7: memref<128x128xf32, #tpu.memory_space<vmem>>, %arg8: memref<128x128xf32, #tpu.memory_space<vmem>>, %arg9: memref<128x128xf32, #tpu.memory_space<vmem>>, %arg10: memref<128x128xf32, #tpu.memory_space<vmem>>, %arg11: memref<128x128xf32, #tpu.memory_space<vmem>>, %arg12: memref<!tpu.dma_semaphore, #tpu.memory_space<semaphore_mem>>, %arg13: memref<!tpu.dma_semaphore, #tpu.memory_space<semaphore_mem>>, %arg14: memref<!tpu.dma_semaphore, #tpu.memory_space<semaphore_mem>>, %arg15: memref<!tpu.dma_semaphore, #tpu.memory_space<semaphore_mem>>, %arg16: memref<!tpu.dma_semaphore, #tpu.memory_space<semaphore_mem>>, %arg17: memref<!tpu.dma_semaphore, #tpu.memory_space<semaphore_mem>>, %arg18: memref<!tpu.dma_semaphore, #tpu.memory_space<semaphore_mem>>, %arg19: memref<!tpu.dma_semaphore, #tpu.memory_space<semaphore_mem>>, %arg20: memref<!tpu.dma_semaphore, #tpu.memory_space<semaphore_mem>>, %arg21: memref<!tpu.dma_semaphore, #tpu.memory_space<semaphore_mem>>, %arg22: memref<!tpu.dma_semaphore, #tpu.memory_space<semaphore_mem>>, %arg23: memref<!tpu.dma_semaphore, #tpu.memory_space<semaphore_mem>>) attributes {dimension_semantics = [#tpu.dimension_semantics<core_parallel>, #tpu.dimension_semantics<subcore_parallel>], iteration_bounds = array<i64: 2, 16>, scalar_prefetch = 0 : i64, scratch_operands = 19 : i64, tpu.core_type = #tpu.core_type<sc_vector_subcore>, window_params = [{transform_indices = #map}, {transform_indices = #map1}, {transform_indices = #map1}]} {
    %mul3A = arith.constant 2 : i32
    %mul3A_0 = arith.muli %arg1, %mul3A : i32
    %add3A = arith.addi %mul3A_0, %arg0 : i32
    %mul3A_1 = arith.constant 3200 : i32
    %mul3A_2 = arith.muli %add3A, %mul3A_1 : i32
    "tpu.region"() ({
      %run_scoped3A = tpu.sem_alloc : memref<!tpu.dma_semaphore, #tpu.memory_space<semaphore_mem>>
      %dma_start3A_63 = arith.constant 0 : i32
      %dma_start3A_64 = arith.constant 0 : i32
      %dma_start3A_65 = tpu.memref_slice %arg2[%add3A, %dma_start3A_63, %dma_start3A_64] : memref<32x25x128xi32, #tpu.memory_space<hbm>> -> memref<1x25x128xi32, #tpu.memory_space<hbm>>
      %dma_start3A_66 = tpu.memref_squeeze %dma_start3A_65 : memref<1x25x128xi32, #tpu.memory_space<hbm>> -> memref<25x128xi32, #tpu.memory_space<hbm>>
      %dma_start3A_67 = arith.constant 0 : i32
      %dma_start3A_68 = arith.constant 0 : i32
      %dma_start3A_69 = tpu.memref_slice %arg2[%add3A, %dma_start3A_67, %dma_start3A_68] : memref<32x25x128xi32, #tpu.memory_space<hbm>> -> memref<1x25x128xi32, #tpu.memory_space<hbm>>
      %dma_start3A_70 = tpu.memref_squeeze %dma_start3A_69 : memref<1x25x128xi32, #tpu.memory_space<hbm>> -> memref<25x128xi32, #tpu.memory_space<hbm>>
      tpu.enqueue_dma source(%dma_start3A_70 : memref<25x128xi32, #tpu.memory_space<hbm>>) target(%arg5 : memref<25x128xi32, #tpu.memory_space<vmem>>) target_semaphore(%run_scoped3A : memref<!tpu.dma_semaphore, #tpu.memory_space<semaphore_mem>>)
      %dma_wait3A_71 = arith.constant 0 : i32
      %dma_wait3A_72 = arith.constant 0 : i32
      %dma_wait3A_73 = tpu.memref_slice %arg2[%add3A, %dma_wait3A_71, %dma_wait3A_72] : memref<32x25x128xi32, #tpu.memory_space<hbm>> -> memref<1x25x128xi32, #tpu.memory_space<hbm>>
      %dma_wait3A_74 = tpu.memref_squeeze %dma_wait3A_73 : memref<1x25x128xi32, #tpu.memory_space<hbm>> -> memref<25x128xi32, #tpu.memory_space<hbm>>
      %dma_wait3A_75 = arith.constant 0 : i32
      %dma_wait3A_76 = arith.constant 0 : i32
      %dma_wait3A_77 = tpu.memref_slice %arg2[%add3A, %dma_wait3A_75, %dma_wait3A_76] : memref<32x25x128xi32, #tpu.memory_space<hbm>> -> memref<1x25x128xi32, #tpu.memory_space<hbm>>
      %dma_wait3A_78 = tpu.memref_squeeze %dma_wait3A_77 : memref<1x25x128xi32, #tpu.memory_space<hbm>> -> memref<25x128xi32, #tpu.memory_space<hbm>>
      tpu.wait_dma2 semaphore(%run_scoped3A : memref<!tpu.dma_semaphore, #tpu.memory_space<semaphore_mem>>) src(%dma_wait3A_78 : memref<25x128xi32, #tpu.memory_space<hbm>>) dst(%arg5 : memref<25x128xi32, #tpu.memory_space<vmem>>)
      tpu.yield
    }) : () -> ()
    %dma_start3A = arith.constant 0 : i32
    %dma_start3A_3 = arith.constant 0 : i32
    %dma_start3A_4 = tpu.memref_slice %arg5[%dma_start3A, %dma_start3A_3] : memref<25x128xi32, #tpu.memory_space<vmem>> -> memref<1x128xi32, #tpu.memory_space<vmem>>
    %dma_start3A_5 = tpu.memref_squeeze %dma_start3A_4 : memref<1x128xi32, #tpu.memory_space<vmem>> -> memref<128xi32, #tpu.memory_space<vmem>>
    %dma_start3A_6 = arith.constant 0 : i32
    %dma_start3A_7 = arith.constant 0 : i32
    %dma_start3A_8 = tpu.memref_slice %arg3[%dma_start3A_6, %dma_start3A_7] : memref<1000000x128xf32, #tpu.memory_space<hbm>> -> memref<1000000x128xf32, #tpu.memory_space<hbm>>
    tpu.enqueue_indirect_dma source(%dma_start3A_8 : memref<1000000x128xf32, #tpu.memory_space<hbm>>) target(%arg6 : memref<128x128xf32, #tpu.memory_space<vmem>>) offsets(%dma_start3A_5 : memref<128xi32, #tpu.memory_space<vmem>>) semaphore(%arg12 : memref<!tpu.dma_semaphore, #tpu.memory_space<semaphore_mem>>)
    %dma_start3A_9 = arith.constant 1 : i32
    %dma_start3A_10 = arith.constant 0 : i32
    %dma_start3A_11 = tpu.memref_slice %arg5[%dma_start3A_9, %dma_start3A_10] : memref<25x128xi32, #tpu.memory_space<vmem>> -> memref<1x128xi32, #tpu.memory_space<vmem>>
    %dma_start3A_12 = tpu.memref_squeeze %dma_start3A_11 : memref<1x128xi32, #tpu.memory_space<vmem>> -> memref<128xi32, #tpu.memory_space<vmem>>
    %dma_start3A_13 = arith.constant 0 : i32
    %dma_start3A_14 = arith.constant 0 : i32
    %dma_start3A_15 = tpu.memref_slice %arg3[%dma_start3A_13, %dma_start3A_14] : memref<1000000x128xf32, #tpu.memory_space<hbm>> -> memref<1000000x128xf32, #tpu.memory_space<hbm>>
    tpu.enqueue_indirect_dma source(%dma_start3A_15 : memref<1000000x128xf32, #tpu.memory_space<hbm>>) target(%arg7 : memref<128x128xf32, #tpu.memory_space<vmem>>) offsets(%dma_start3A_12 : memref<128xi32, #tpu.memory_space<vmem>>) semaphore(%arg13 : memref<!tpu.dma_semaphore, #tpu.memory_space<semaphore_mem>>)
    %dma_start3A_16 = arith.constant 2 : i32
    %dma_start3A_17 = arith.constant 0 : i32
    %dma_start3A_18 = tpu.memref_slice %arg5[%dma_start3A_16, %dma_start3A_17] : memref<25x128xi32, #tpu.memory_space<vmem>> -> memref<1x128xi32, #tpu.memory_space<vmem>>
    %dma_start3A_19 = tpu.memref_squeeze %dma_start3A_18 : memref<1x128xi32, #tpu.memory_space<vmem>> -> memref<128xi32, #tpu.memory_space<vmem>>
    %dma_start3A_20 = arith.constant 0 : i32
    %dma_start3A_21 = arith.constant 0 : i32
    %dma_start3A_22 = tpu.memref_slice %arg3[%dma_start3A_20, %dma_start3A_21] : memref<1000000x128xf32, #tpu.memory_space<hbm>> -> memref<1000000x128xf32, #tpu.memory_space<hbm>>
    tpu.enqueue_indirect_dma source(%dma_start3A_22 : memref<1000000x128xf32, #tpu.memory_space<hbm>>) target(%arg8 : memref<128x128xf32, #tpu.memory_space<vmem>>) offsets(%dma_start3A_19 : memref<128xi32, #tpu.memory_space<vmem>>) semaphore(%arg14 : memref<!tpu.dma_semaphore, #tpu.memory_space<semaphore_mem>>)
    %scan3A = arith.constant 0 : i32
    %scan3A_23 = arith.constant 0 : i32
    %scan3A_24 = arith.constant 25 : i32
    %scan3A_25 = arith.addi %scan3A_23, %scan3A_24 : i32
    %scan3A_26 = arith.constant 1 : i32
    scf.for %scan3A_63 = %scan3A_23 to %scan3A_25 step %scan3A_26  : i32 {
      %rem3A = arith.constant 6 : i32
      %rem3A_64 = arith.remsi %scan3A_63, %rem3A : i32
      %eq3A = arith.constant 0 : i32
      %eq3A_65 = arith.cmpi eq, %rem3A_64, %eq3A : i32
      %convert_element_type3A = arith.extui %eq3A_65 : i1 to i32
      %cond3A = arith.constant 0 : i32
      %cond3A_66 = arith.cmpi ne, %convert_element_type3A, %cond3A : i32
      scf.if %cond3A_66 {
        %dma_wait3A_102 = arith.constant 0 : i32
        %dma_wait3A_103 = tpu.memref_slice %arg5[%scan3A_63, %dma_wait3A_102] : memref<25x128xi32, #tpu.memory_space<vmem>> -> memref<1x128xi32, #tpu.memory_space<vmem>>
        %dma_wait3A_104 = tpu.memref_squeeze %dma_wait3A_103 : memref<1x128xi32, #tpu.memory_space<vmem>> -> memref<128xi32, #tpu.memory_space<vmem>>
        %dma_wait3A_105 = arith.constant 0 : i32
        %dma_wait3A_106 = arith.constant 0 : i32
        %dma_wait3A_107 = tpu.memref_slice %arg3[%dma_wait3A_105, %dma_wait3A_106] : memref<1000000x128xf32, #tpu.memory_space<hbm>> -> memref<1000000x128xf32, #tpu.memory_space<hbm>>
        tpu.wait_indirect_dma semaphore(%arg12 : memref<!tpu.dma_semaphore, #tpu.memory_space<semaphore_mem>>) src(%dma_wait3A_107 : memref<1000000x128xf32, #tpu.memory_space<hbm>>) dst(%arg6 : memref<128x128xf32, #tpu.memory_space<vmem>>)
        %mul3A_108 = arith.constant 128 : i32
        %mul3A_109 = arith.muli %scan3A_63, %mul3A_108 : i32
        %add3A_110 = arith.addi %mul3A_2, %mul3A_109 : i32
        %dma_start3A_111 = arith.constant 0 : i32
        %dma_start3A_112 = tpu.memref_slice %arg4[%add3A_110, %dma_start3A_111] : memref<102400x128xf32, #tpu.memory_space<hbm>> -> memref<128x128xf32, #tpu.memory_space<hbm>>
        %dma_start3A_113 = arith.constant 0 : i32
        %dma_start3A_114 = tpu.memref_slice %arg4[%add3A_110, %dma_start3A_113] : memref<102400x128xf32, #tpu.memory_space<hbm>> -> memref<128x128xf32, #tpu.memory_space<hbm>>
        tpu.enqueue_dma source(%arg6 : memref<128x128xf32, #tpu.memory_space<vmem>>) target(%dma_start3A_114 : memref<128x128xf32, #tpu.memory_space<hbm>>) target_semaphore(%arg18 : memref<!tpu.dma_semaphore, #tpu.memory_space<semaphore_mem>>)
        %add3A_115 = arith.constant 3 : i32
        %add3A_116 = arith.addi %scan3A_63, %add3A_115 : i32
        %lt3A = arith.constant 25 : i32
        %lt3A_117 = arith.cmpi slt, %add3A_116, %lt3A : i32
        %convert_element_type3A_118 = arith.extui %lt3A_117 : i1 to i32
        %cond3A_119 = arith.constant 0 : i32
        %cond3A_120 = arith.cmpi ne, %convert_element_type3A_118, %cond3A_119 : i32
        scf.if %cond3A_120 {
          %add3A_121 = arith.constant 3 : i32
          %add3A_122 = arith.addi %scan3A_63, %add3A_121 : i32
          %sub3A = arith.constant 6 : i32
          %sub3A_123 = arith.subi %add3A_122, %sub3A : i32
          %ge3A = arith.constant 0 : i32
          %ge3A_124 = arith.cmpi sge, %sub3A_123, %ge3A : i32
          %convert_element_type3A_125 = arith.extui %ge3A_124 : i1 to i32
          %cond3A_126 = arith.constant 0 : i32
          %cond3A_127 = arith.cmpi ne, %convert_element_type3A_125, %cond3A_126 : i32
          scf.if %cond3A_127 {
            %mul3A_136 = arith.constant 128 : i32
            %mul3A_137 = arith.muli %sub3A_123, %mul3A_136 : i32
            %add3A_138 = arith.addi %mul3A_2, %mul3A_137 : i32
            %dma_wait3A_139 = arith.constant 0 : i32
            %dma_wait3A_140 = tpu.memref_slice %arg4[%add3A_138, %dma_wait3A_139] : memref<102400x128xf32, #tpu.memory_space<hbm>> -> memref<128x128xf32, #tpu.memory_space<hbm>>
            %dma_wait3A_141 = arith.constant 0 : i32
            %dma_wait3A_142 = tpu.memref_slice %arg4[%add3A_138, %dma_wait3A_141] : memref<102400x128xf32, #tpu.memory_space<hbm>> -> memref<128x128xf32, #tpu.memory_space<hbm>>
            tpu.wait_dma2 semaphore(%arg21 : memref<!tpu.dma_semaphore, #tpu.memory_space<semaphore_mem>>) src(%arg9 : memref<128x128xf32, #tpu.memory_space<vmem>>) dst(%dma_wait3A_142 : memref<128x128xf32, #tpu.memory_space<hbm>>)
          } else {
          }
          %add3A_128 = arith.constant 3 : i32
          %add3A_129 = arith.addi %scan3A_63, %add3A_128 : i32
          %dma_start3A_130 = arith.constant 0 : i32
          %dma_start3A_131 = tpu.memref_slice %arg5[%add3A_129, %dma_start3A_130] : memref<25x128xi32, #tpu.memory_space<vmem>> -> memref<1x128xi32, #tpu.memory_space<vmem>>
          %dma_start3A_132 = tpu.memref_squeeze %dma_start3A_131 : memref<1x128xi32, #tpu.memory_space<vmem>> -> memref<128xi32, #tpu.memory_space<vmem>>
          %dma_start3A_133 = arith.constant 0 : i32
          %dma_start3A_134 = arith.constant 0 : i32
          %dma_start3A_135 = tpu.memref_slice %arg3[%dma_start3A_133, %dma_start3A_134] : memref<1000000x128xf32, #tpu.memory_space<hbm>> -> memref<1000000x128xf32, #tpu.memory_space<hbm>>
          tpu.enqueue_indirect_dma source(%dma_start3A_135 : memref<1000000x128xf32, #tpu.memory_space<hbm>>) target(%arg9 : memref<128x128xf32, #tpu.memory_space<vmem>>) offsets(%dma_start3A_132 : memref<128xi32, #tpu.memory_space<vmem>>) semaphore(%arg15 : memref<!tpu.dma_semaphore, #tpu.memory_space<semaphore_mem>>)
        } else {
        }
      } else {
      }
      %rem3A_67 = arith.constant 6 : i32
      %rem3A_68 = arith.remsi %scan3A_63, %rem3A_67 : i32
      %eq3A_69 = arith.constant 1 : i32
      %eq3A_70 = arith.cmpi eq, %rem3A_68, %eq3A_69 : i32
      %convert_element_type3A_71 = arith.extui %eq3A_70 : i1 to i32
      %cond3A_72 = arith.constant 0 : i32
      %cond3A_73 = arith.cmpi ne, %convert_element_type3A_71, %cond3A_72 : i32
      scf.if %cond3A_73 {
        %dma_wait3A_102 = arith.constant 0 : i32
        %dma_wait3A_103 = tpu.memref_slice %arg5[%scan3A_63, %dma_wait3A_102] : memref<25x128xi32, #tpu.memory_space<vmem>> -> memref<1x128xi32, #tpu.memory_space<vmem>>
        %dma_wait3A_104 = tpu.memref_squeeze %dma_wait3A_103 : memref<1x128xi32, #tpu.memory_space<vmem>> -> memref<128xi32, #tpu.memory_space<vmem>>
        %dma_wait3A_105 = arith.constant 0 : i32
        %dma_wait3A_106 = arith.constant 0 : i32
        %dma_wait3A_107 = tpu.memref_slice %arg3[%dma_wait3A_105, %dma_wait3A_106] : memref<1000000x128xf32, #tpu.memory_space<hbm>> -> memref<1000000x128xf32, #tpu.memory_space<hbm>>
        tpu.wait_indirect_dma semaphore(%arg13 : memref<!tpu.dma_semaphore, #tpu.memory_space<semaphore_mem>>) src(%dma_wait3A_107 : memref<1000000x128xf32, #tpu.memory_space<hbm>>) dst(%arg7 : memref<128x128xf32, #tpu.memory_space<vmem>>)
        %mul3A_108 = arith.constant 128 : i32
        %mul3A_109 = arith.muli %scan3A_63, %mul3A_108 : i32
        %add3A_110 = arith.addi %mul3A_2, %mul3A_109 : i32
        %dma_start3A_111 = arith.constant 0 : i32
        %dma_start3A_112 = tpu.memref_slice %arg4[%add3A_110, %dma_start3A_111] : memref<102400x128xf32, #tpu.memory_space<hbm>> -> memref<128x128xf32, #tpu.memory_space<hbm>>
        %dma_start3A_113 = arith.constant 0 : i32
        %dma_start3A_114 = tpu.memref_slice %arg4[%add3A_110, %dma_start3A_113] : memref<102400x128xf32, #tpu.memory_space<hbm>> -> memref<128x128xf32, #tpu.memory_space<hbm>>
        tpu.enqueue_dma source(%arg7 : memref<128x128xf32, #tpu.memory_space<vmem>>) target(%dma_start3A_114 : memref<128x128xf32, #tpu.memory_space<hbm>>) target_semaphore(%arg19 : memref<!tpu.dma_semaphore, #tpu.memory_space<semaphore_mem>>)
        %add3A_115 = arith.constant 3 : i32
        %add3A_116 = arith.addi %scan3A_63, %add3A_115 : i32
        %lt3A = arith.constant 25 : i32
        %lt3A_117 = arith.cmpi slt, %add3A_116, %lt3A : i32
        %convert_element_type3A_118 = arith.extui %lt3A_117 : i1 to i32
        %cond3A_119 = arith.constant 0 : i32
        %cond3A_120 = arith.cmpi ne, %convert_element_type3A_118, %cond3A_119 : i32
        scf.if %cond3A_120 {
          %add3A_121 = arith.constant 3 : i32
          %add3A_122 = arith.addi %scan3A_63, %add3A_121 : i32
          %sub3A = arith.constant 6 : i32
          %sub3A_123 = arith.subi %add3A_122, %sub3A : i32
          %ge3A = arith.constant 0 : i32
          %ge3A_124 = arith.cmpi sge, %sub3A_123, %ge3A : i32
          %convert_element_type3A_125 = arith.extui %ge3A_124 : i1 to i32
          %cond3A_126 = arith.constant 0 : i32
          %cond3A_127 = arith.cmpi ne, %convert_element_type3A_125, %cond3A_126 : i32
          scf.if %cond3A_127 {
            %mul3A_136 = arith.constant 128 : i32
            %mul3A_137 = arith.muli %sub3A_123, %mul3A_136 : i32
            %add3A_138 = arith.addi %mul3A_2, %mul3A_137 : i32
            %dma_wait3A_139 = arith.constant 0 : i32
            %dma_wait3A_140 = tpu.memref_slice %arg4[%add3A_138, %dma_wait3A_139] : memref<102400x128xf32, #tpu.memory_space<hbm>> -> memref<128x128xf32, #tpu.memory_space<hbm>>
            %dma_wait3A_141 = arith.constant 0 : i32
            %dma_wait3A_142 = tpu.memref_slice %arg4[%add3A_138, %dma_wait3A_141] : memref<102400x128xf32, #tpu.memory_space<hbm>> -> memref<128x128xf32, #tpu.memory_space<hbm>>
            tpu.wait_dma2 semaphore(%arg22 : memref<!tpu.dma_semaphore, #tpu.memory_space<semaphore_mem>>) src(%arg10 : memref<128x128xf32, #tpu.memory_space<vmem>>) dst(%dma_wait3A_142 : memref<128x128xf32, #tpu.memory_space<hbm>>)
          } else {
          }
          %add3A_128 = arith.constant 3 : i32
          %add3A_129 = arith.addi %scan3A_63, %add3A_128 : i32
          %dma_start3A_130 = arith.constant 0 : i32
          %dma_start3A_131 = tpu.memref_slice %arg5[%add3A_129, %dma_start3A_130] : memref<25x128xi32, #tpu.memory_space<vmem>> -> memref<1x128xi32, #tpu.memory_space<vmem>>
          %dma_start3A_132 = tpu.memref_squeeze %dma_start3A_131 : memref<1x128xi32, #tpu.memory_space<vmem>> -> memref<128xi32, #tpu.memory_space<vmem>>
          %dma_start3A_133 = arith.constant 0 : i32
          %dma_start3A_134 = arith.constant 0 : i32
          %dma_start3A_135 = tpu.memref_slice %arg3[%dma_start3A_133, %dma_start3A_134] : memref<1000000x128xf32, #tpu.memory_space<hbm>> -> memref<1000000x128xf32, #tpu.memory_space<hbm>>
          tpu.enqueue_indirect_dma source(%dma_start3A_135 : memref<1000000x128xf32, #tpu.memory_space<hbm>>) target(%arg10 : memref<128x128xf32, #tpu.memory_space<vmem>>) offsets(%dma_start3A_132 : memref<128xi32, #tpu.memory_space<vmem>>) semaphore(%arg16 : memref<!tpu.dma_semaphore, #tpu.memory_space<semaphore_mem>>)
        } else {
        }
      } else {
      }
      %rem3A_74 = arith.constant 6 : i32
      %rem3A_75 = arith.remsi %scan3A_63, %rem3A_74 : i32
      %eq3A_76 = arith.constant 2 : i32
      %eq3A_77 = arith.cmpi eq, %rem3A_75, %eq3A_76 : i32
      %convert_element_type3A_78 = arith.extui %eq3A_77 : i1 to i32
      %cond3A_79 = arith.constant 0 : i32
      %cond3A_80 = arith.cmpi ne, %convert_element_type3A_78, %cond3A_79 : i32
      scf.if %cond3A_80 {
        %dma_wait3A_102 = arith.constant 0 : i32
        %dma_wait3A_103 = tpu.memref_slice %arg5[%scan3A_63, %dma_wait3A_102] : memref<25x128xi32, #tpu.memory_space<vmem>> -> memref<1x128xi32, #tpu.memory_space<vmem>>
        %dma_wait3A_104 = tpu.memref_squeeze %dma_wait3A_103 : memref<1x128xi32, #tpu.memory_space<vmem>> -> memref<128xi32, #tpu.memory_space<vmem>>
        %dma_wait3A_105 = arith.constant 0 : i32
        %dma_wait3A_106 = arith.constant 0 : i32
        %dma_wait3A_107 = tpu.memref_slice %arg3[%dma_wait3A_105, %dma_wait3A_106] : memref<1000000x128xf32, #tpu.memory_space<hbm>> -> memref<1000000x128xf32, #tpu.memory_space<hbm>>
        tpu.wait_indirect_dma semaphore(%arg14 : memref<!tpu.dma_semaphore, #tpu.memory_space<semaphore_mem>>) src(%dma_wait3A_107 : memref<1000000x128xf32, #tpu.memory_space<hbm>>) dst(%arg8 : memref<128x128xf32, #tpu.memory_space<vmem>>)
        %mul3A_108 = arith.constant 128 : i32
        %mul3A_109 = arith.muli %scan3A_63, %mul3A_108 : i32
        %add3A_110 = arith.addi %mul3A_2, %mul3A_109 : i32
        %dma_start3A_111 = arith.constant 0 : i32
        %dma_start3A_112 = tpu.memref_slice %arg4[%add3A_110, %dma_start3A_111] : memref<102400x128xf32, #tpu.memory_space<hbm>> -> memref<128x128xf32, #tpu.memory_space<hbm>>
        %dma_start3A_113 = arith.constant 0 : i32
        %dma_start3A_114 = tpu.memref_slice %arg4[%add3A_110, %dma_start3A_113] : memref<102400x128xf32, #tpu.memory_space<hbm>> -> memref<128x128xf32, #tpu.memory_space<hbm>>
        tpu.enqueue_dma source(%arg8 : memref<128x128xf32, #tpu.memory_space<vmem>>) target(%dma_start3A_114 : memref<128x128xf32, #tpu.memory_space<hbm>>) target_semaphore(%arg20 : memref<!tpu.dma_semaphore, #tpu.memory_space<semaphore_mem>>)
        %add3A_115 = arith.constant 3 : i32
        %add3A_116 = arith.addi %scan3A_63, %add3A_115 : i32
        %lt3A = arith.constant 25 : i32
        %lt3A_117 = arith.cmpi slt, %add3A_116, %lt3A : i32
        %convert_element_type3A_118 = arith.extui %lt3A_117 : i1 to i32
        %cond3A_119 = arith.constant 0 : i32
        %cond3A_120 = arith.cmpi ne, %convert_element_type3A_118, %cond3A_119 : i32
        scf.if %cond3A_120 {
          %add3A_121 = arith.constant 3 : i32
          %add3A_122 = arith.addi %scan3A_63, %add3A_121 : i32
          %sub3A = arith.constant 6 : i32
          %sub3A_123 = arith.subi %add3A_122, %sub3A : i32
          %ge3A = arith.constant 0 : i32
          %ge3A_124 = arith.cmpi sge, %sub3A_123, %ge3A : i32
          %convert_element_type3A_125 = arith.extui %ge3A_124 : i1 to i32
          %cond3A_126 = arith.constant 0 : i32
          %cond3A_127 = arith.cmpi ne, %convert_element_type3A_125, %cond3A_126 : i32
          scf.if %cond3A_127 {
            %mul3A_136 = arith.constant 128 : i32
            %mul3A_137 = arith.muli %sub3A_123, %mul3A_136 : i32
            %add3A_138 = arith.addi %mul3A_2, %mul3A_137 : i32
            %dma_wait3A_139 = arith.constant 0 : i32
            %dma_wait3A_140 = tpu.memref_slice %arg4[%add3A_138, %dma_wait3A_139] : memref<102400x128xf32, #tpu.memory_space<hbm>> -> memref<128x128xf32, #tpu.memory_space<hbm>>
            %dma_wait3A_141 = arith.constant 0 : i32
            %dma_wait3A_142 = tpu.memref_slice %arg4[%add3A_138, %dma_wait3A_141] : memref<102400x128xf32, #tpu.memory_space<hbm>> -> memref<128x128xf32, #tpu.memory_space<hbm>>
            tpu.wait_dma2 semaphore(%arg23 : memref<!tpu.dma_semaphore, #tpu.memory_space<semaphore_mem>>) src(%arg11 : memref<128x128xf32, #tpu.memory_space<vmem>>) dst(%dma_wait3A_142 : memref<128x128xf32, #tpu.memory_space<hbm>>)
          } else {
          }
          %add3A_128 = arith.constant 3 : i32
          %add3A_129 = arith.addi %scan3A_63, %add3A_128 : i32
          %dma_start3A_130 = arith.constant 0 : i32
          %dma_start3A_131 = tpu.memref_slice %arg5[%add3A_129, %dma_start3A_130] : memref<25x128xi32, #tpu.memory_space<vmem>> -> memref<1x128xi32, #tpu.memory_space<vmem>>
          %dma_start3A_132 = tpu.memref_squeeze %dma_start3A_131 : memref<1x128xi32, #tpu.memory_space<vmem>> -> memref<128xi32, #tpu.memory_space<vmem>>
          %dma_start3A_133 = arith.constant 0 : i32
          %dma_start3A_134 = arith.constant 0 : i32
          %dma_start3A_135 = tpu.memref_slice %arg3[%dma_start3A_133, %dma_start3A_134] : memref<1000000x128xf32, #tpu.memory_space<hbm>> -> memref<1000000x128xf32, #tpu.memory_space<hbm>>
          tpu.enqueue_indirect_dma source(%dma_start3A_135 : memref<1000000x128xf32, #tpu.memory_space<hbm>>) target(%arg11 : memref<128x128xf32, #tpu.memory_space<vmem>>) offsets(%dma_start3A_132 : memref<128xi32, #tpu.memory_space<vmem>>) semaphore(%arg17 : memref<!tpu.dma_semaphore, #tpu.memory_space<semaphore_mem>>)
        } else {
        }
      } else {
      }
      %rem3A_81 = arith.constant 6 : i32
      %rem3A_82 = arith.remsi %scan3A_63, %rem3A_81 : i32
      %eq3A_83 = arith.constant 3 : i32
      %eq3A_84 = arith.cmpi eq, %rem3A_82, %eq3A_83 : i32
      %convert_element_type3A_85 = arith.extui %eq3A_84 : i1 to i32
      %cond3A_86 = arith.constant 0 : i32
      %cond3A_87 = arith.cmpi ne, %convert_element_type3A_85, %cond3A_86 : i32
      scf.if %cond3A_87 {
        %dma_wait3A_102 = arith.constant 0 : i32
        %dma_wait3A_103 = tpu.memref_slice %arg5[%scan3A_63, %dma_wait3A_102] : memref<25x128xi32, #tpu.memory_space<vmem>> -> memref<1x128xi32, #tpu.memory_space<vmem>>
        %dma_wait3A_104 = tpu.memref_squeeze %dma_wait3A_103 : memref<1x128xi32, #tpu.memory_space<vmem>> -> memref<128xi32, #tpu.memory_space<vmem>>
        %dma_wait3A_105 = arith.constant 0 : i32
        %dma_wait3A_106 = arith.constant 0 : i32
        %dma_wait3A_107 = tpu.memref_slice %arg3[%dma_wait3A_105, %dma_wait3A_106] : memref<1000000x128xf32, #tpu.memory_space<hbm>> -> memref<1000000x128xf32, #tpu.memory_space<hbm>>
        tpu.wait_indirect_dma semaphore(%arg15 : memref<!tpu.dma_semaphore, #tpu.memory_space<semaphore_mem>>) src(%dma_wait3A_107 : memref<1000000x128xf32, #tpu.memory_space<hbm>>) dst(%arg9 : memref<128x128xf32, #tpu.memory_space<vmem>>)
        %mul3A_108 = arith.constant 128 : i32
        %mul3A_109 = arith.muli %scan3A_63, %mul3A_108 : i32
        %add3A_110 = arith.addi %mul3A_2, %mul3A_109 : i32
        %dma_start3A_111 = arith.constant 0 : i32
        %dma_start3A_112 = tpu.memref_slice %arg4[%add3A_110, %dma_start3A_111] : memref<102400x128xf32, #tpu.memory_space<hbm>> -> memref<128x128xf32, #tpu.memory_space<hbm>>
        %dma_start3A_113 = arith.constant 0 : i32
        %dma_start3A_114 = tpu.memref_slice %arg4[%add3A_110, %dma_start3A_113] : memref<102400x128xf32, #tpu.memory_space<hbm>> -> memref<128x128xf32, #tpu.memory_space<hbm>>
        tpu.enqueue_dma source(%arg9 : memref<128x128xf32, #tpu.memory_space<vmem>>) target(%dma_start3A_114 : memref<128x128xf32, #tpu.memory_space<hbm>>) target_semaphore(%arg21 : memref<!tpu.dma_semaphore, #tpu.memory_space<semaphore_mem>>)
        %add3A_115 = arith.constant 3 : i32
        %add3A_116 = arith.addi %scan3A_63, %add3A_115 : i32
        %lt3A = arith.constant 25 : i32
        %lt3A_117 = arith.cmpi slt, %add3A_116, %lt3A : i32
        %convert_element_type3A_118 = arith.extui %lt3A_117 : i1 to i32
        %cond3A_119 = arith.constant 0 : i32
        %cond3A_120 = arith.cmpi ne, %convert_element_type3A_118, %cond3A_119 : i32
        scf.if %cond3A_120 {
          %add3A_121 = arith.constant 3 : i32
          %add3A_122 = arith.addi %scan3A_63, %add3A_121 : i32
          %sub3A = arith.constant 6 : i32
          %sub3A_123 = arith.subi %add3A_122, %sub3A : i32
          %ge3A = arith.constant 0 : i32
          %ge3A_124 = arith.cmpi sge, %sub3A_123, %ge3A : i32
          %convert_element_type3A_125 = arith.extui %ge3A_124 : i1 to i32
          %cond3A_126 = arith.constant 0 : i32
          %cond3A_127 = arith.cmpi ne, %convert_element_type3A_125, %cond3A_126 : i32
          scf.if %cond3A_127 {
            %mul3A_136 = arith.constant 128 : i32
            %mul3A_137 = arith.muli %sub3A_123, %mul3A_136 : i32
            %add3A_138 = arith.addi %mul3A_2, %mul3A_137 : i32
            %dma_wait3A_139 = arith.constant 0 : i32
            %dma_wait3A_140 = tpu.memref_slice %arg4[%add3A_138, %dma_wait3A_139] : memref<102400x128xf32, #tpu.memory_space<hbm>> -> memref<128x128xf32, #tpu.memory_space<hbm>>
            %dma_wait3A_141 = arith.constant 0 : i32
            %dma_wait3A_142 = tpu.memref_slice %arg4[%add3A_138, %dma_wait3A_141] : memref<102400x128xf32, #tpu.memory_space<hbm>> -> memref<128x128xf32, #tpu.memory_space<hbm>>
            tpu.wait_dma2 semaphore(%arg18 : memref<!tpu.dma_semaphore, #tpu.memory_space<semaphore_mem>>) src(%arg6 : memref<128x128xf32, #tpu.memory_space<vmem>>) dst(%dma_wait3A_142 : memref<128x128xf32, #tpu.memory_space<hbm>>)
          } else {
          }
          %add3A_128 = arith.constant 3 : i32
          %add3A_129 = arith.addi %scan3A_63, %add3A_128 : i32
          %dma_start3A_130 = arith.constant 0 : i32
          %dma_start3A_131 = tpu.memref_slice %arg5[%add3A_129, %dma_start3A_130] : memref<25x128xi32, #tpu.memory_space<vmem>> -> memref<1x128xi32, #tpu.memory_space<vmem>>
          %dma_start3A_132 = tpu.memref_squeeze %dma_start3A_131 : memref<1x128xi32, #tpu.memory_space<vmem>> -> memref<128xi32, #tpu.memory_space<vmem>>
          %dma_start3A_133 = arith.constant 0 : i32
          %dma_start3A_134 = arith.constant 0 : i32
          %dma_start3A_135 = tpu.memref_slice %arg3[%dma_start3A_133, %dma_start3A_134] : memref<1000000x128xf32, #tpu.memory_space<hbm>> -> memref<1000000x128xf32, #tpu.memory_space<hbm>>
          tpu.enqueue_indirect_dma source(%dma_start3A_135 : memref<1000000x128xf32, #tpu.memory_space<hbm>>) target(%arg6 : memref<128x128xf32, #tpu.memory_space<vmem>>) offsets(%dma_start3A_132 : memref<128xi32, #tpu.memory_space<vmem>>) semaphore(%arg12 : memref<!tpu.dma_semaphore, #tpu.memory_space<semaphore_mem>>)
        } else {
        }
      } else {
      }
      %rem3A_88 = arith.constant 6 : i32
      %rem3A_89 = arith.remsi %scan3A_63, %rem3A_88 : i32
      %eq3A_90 = arith.constant 4 : i32
      %eq3A_91 = arith.cmpi eq, %rem3A_89, %eq3A_90 : i32
      %convert_element_type3A_92 = arith.extui %eq3A_91 : i1 to i32
      %cond3A_93 = arith.constant 0 : i32
      %cond3A_94 = arith.cmpi ne, %convert_element_type3A_92, %cond3A_93 : i32
      scf.if %cond3A_94 {
        %dma_wait3A_102 = arith.constant 0 : i32
        %dma_wait3A_103 = tpu.memref_slice %arg5[%scan3A_63, %dma_wait3A_102] : memref<25x128xi32, #tpu.memory_space<vmem>> -> memref<1x128xi32, #tpu.memory_space<vmem>>
        %dma_wait3A_104 = tpu.memref_squeeze %dma_wait3A_103 : memref<1x128xi32, #tpu.memory_space<vmem>> -> memref<128xi32, #tpu.memory_space<vmem>>
        %dma_wait3A_105 = arith.constant 0 : i32
        %dma_wait3A_106 = arith.constant 0 : i32
        %dma_wait3A_107 = tpu.memref_slice %arg3[%dma_wait3A_105, %dma_wait3A_106] : memref<1000000x128xf32, #tpu.memory_space<hbm>> -> memref<1000000x128xf32, #tpu.memory_space<hbm>>
        tpu.wait_indirect_dma semaphore(%arg16 : memref<!tpu.dma_semaphore, #tpu.memory_space<semaphore_mem>>) src(%dma_wait3A_107 : memref<1000000x128xf32, #tpu.memory_space<hbm>>) dst(%arg10 : memref<128x128xf32, #tpu.memory_space<vmem>>)
        %mul3A_108 = arith.constant 128 : i32
        %mul3A_109 = arith.muli %scan3A_63, %mul3A_108 : i32
        %add3A_110 = arith.addi %mul3A_2, %mul3A_109 : i32
        %dma_start3A_111 = arith.constant 0 : i32
        %dma_start3A_112 = tpu.memref_slice %arg4[%add3A_110, %dma_start3A_111] : memref<102400x128xf32, #tpu.memory_space<hbm>> -> memref<128x128xf32, #tpu.memory_space<hbm>>
        %dma_start3A_113 = arith.constant 0 : i32
        %dma_start3A_114 = tpu.memref_slice %arg4[%add3A_110, %dma_start3A_113] : memref<102400x128xf32, #tpu.memory_space<hbm>> -> memref<128x128xf32, #tpu.memory_space<hbm>>
        tpu.enqueue_dma source(%arg10 : memref<128x128xf32, #tpu.memory_space<vmem>>) target(%dma_start3A_114 : memref<128x128xf32, #tpu.memory_space<hbm>>) target_semaphore(%arg22 : memref<!tpu.dma_semaphore, #tpu.memory_space<semaphore_mem>>)
        %add3A_115 = arith.constant 3 : i32
        %add3A_116 = arith.addi %scan3A_63, %add3A_115 : i32
        %lt3A = arith.constant 25 : i32
        %lt3A_117 = arith.cmpi slt, %add3A_116, %lt3A : i32
        %convert_element_type3A_118 = arith.extui %lt3A_117 : i1 to i32
        %cond3A_119 = arith.constant 0 : i32
        %cond3A_120 = arith.cmpi ne, %convert_element_type3A_118, %cond3A_119 : i32
        scf.if %cond3A_120 {
          %add3A_121 = arith.constant 3 : i32
          %add3A_122 = arith.addi %scan3A_63, %add3A_121 : i32
          %sub3A = arith.constant 6 : i32
          %sub3A_123 = arith.subi %add3A_122, %sub3A : i32
          %ge3A = arith.constant 0 : i32
          %ge3A_124 = arith.cmpi sge, %sub3A_123, %ge3A : i32
          %convert_element_type3A_125 = arith.extui %ge3A_124 : i1 to i32
          %cond3A_126 = arith.constant 0 : i32
          %cond3A_127 = arith.cmpi ne, %convert_element_type3A_125, %cond3A_126 : i32
          scf.if %cond3A_127 {
            %mul3A_136 = arith.constant 128 : i32
            %mul3A_137 = arith.muli %sub3A_123, %mul3A_136 : i32
            %add3A_138 = arith.addi %mul3A_2, %mul3A_137 : i32
            %dma_wait3A_139 = arith.constant 0 : i32
            %dma_wait3A_140 = tpu.memref_slice %arg4[%add3A_138, %dma_wait3A_139] : memref<102400x128xf32, #tpu.memory_space<hbm>> -> memref<128x128xf32, #tpu.memory_space<hbm>>
            %dma_wait3A_141 = arith.constant 0 : i32
            %dma_wait3A_142 = tpu.memref_slice %arg4[%add3A_138, %dma_wait3A_141] : memref<102400x128xf32, #tpu.memory_space<hbm>> -> memref<128x128xf32, #tpu.memory_space<hbm>>
            tpu.wait_dma2 semaphore(%arg19 : memref<!tpu.dma_semaphore, #tpu.memory_space<semaphore_mem>>) src(%arg7 : memref<128x128xf32, #tpu.memory_space<vmem>>) dst(%dma_wait3A_142 : memref<128x128xf32, #tpu.memory_space<hbm>>)
          } else {
          }
          %add3A_128 = arith.constant 3 : i32
          %add3A_129 = arith.addi %scan3A_63, %add3A_128 : i32
          %dma_start3A_130 = arith.constant 0 : i32
          %dma_start3A_131 = tpu.memref_slice %arg5[%add3A_129, %dma_start3A_130] : memref<25x128xi32, #tpu.memory_space<vmem>> -> memref<1x128xi32, #tpu.memory_space<vmem>>
          %dma_start3A_132 = tpu.memref_squeeze %dma_start3A_131 : memref<1x128xi32, #tpu.memory_space<vmem>> -> memref<128xi32, #tpu.memory_space<vmem>>
          %dma_start3A_133 = arith.constant 0 : i32
          %dma_start3A_134 = arith.constant 0 : i32
          %dma_start3A_135 = tpu.memref_slice %arg3[%dma_start3A_133, %dma_start3A_134] : memref<1000000x128xf32, #tpu.memory_space<hbm>> -> memref<1000000x128xf32, #tpu.memory_space<hbm>>
          tpu.enqueue_indirect_dma source(%dma_start3A_135 : memref<1000000x128xf32, #tpu.memory_space<hbm>>) target(%arg7 : memref<128x128xf32, #tpu.memory_space<vmem>>) offsets(%dma_start3A_132 : memref<128xi32, #tpu.memory_space<vmem>>) semaphore(%arg13 : memref<!tpu.dma_semaphore, #tpu.memory_space<semaphore_mem>>)
        } else {
        }
      } else {
      }
      %rem3A_95 = arith.constant 6 : i32
      %rem3A_96 = arith.remsi %scan3A_63, %rem3A_95 : i32
      %eq3A_97 = arith.constant 5 : i32
      %eq3A_98 = arith.cmpi eq, %rem3A_96, %eq3A_97 : i32
      %convert_element_type3A_99 = arith.extui %eq3A_98 : i1 to i32
      %cond3A_100 = arith.constant 0 : i32
      %cond3A_101 = arith.cmpi ne, %convert_element_type3A_99, %cond3A_100 : i32
      scf.if %cond3A_101 {
        %dma_wait3A_102 = arith.constant 0 : i32
        %dma_wait3A_103 = tpu.memref_slice %arg5[%scan3A_63, %dma_wait3A_102] : memref<25x128xi32, #tpu.memory_space<vmem>> -> memref<1x128xi32, #tpu.memory_space<vmem>>
        %dma_wait3A_104 = tpu.memref_squeeze %dma_wait3A_103 : memref<1x128xi32, #tpu.memory_space<vmem>> -> memref<128xi32, #tpu.memory_space<vmem>>
        %dma_wait3A_105 = arith.constant 0 : i32
        %dma_wait3A_106 = arith.constant 0 : i32
        %dma_wait3A_107 = tpu.memref_slice %arg3[%dma_wait3A_105, %dma_wait3A_106] : memref<1000000x128xf32, #tpu.memory_space<hbm>> -> memref<1000000x128xf32, #tpu.memory_space<hbm>>
        tpu.wait_indirect_dma semaphore(%arg17 : memref<!tpu.dma_semaphore, #tpu.memory_space<semaphore_mem>>) src(%dma_wait3A_107 : memref<1000000x128xf32, #tpu.memory_space<hbm>>) dst(%arg11 : memref<128x128xf32, #tpu.memory_space<vmem>>)
        %mul3A_108 = arith.constant 128 : i32
        %mul3A_109 = arith.muli %scan3A_63, %mul3A_108 : i32
        %add3A_110 = arith.addi %mul3A_2, %mul3A_109 : i32
        %dma_start3A_111 = arith.constant 0 : i32
        %dma_start3A_112 = tpu.memref_slice %arg4[%add3A_110, %dma_start3A_111] : memref<102400x128xf32, #tpu.memory_space<hbm>> -> memref<128x128xf32, #tpu.memory_space<hbm>>
        %dma_start3A_113 = arith.constant 0 : i32
        %dma_start3A_114 = tpu.memref_slice %arg4[%add3A_110, %dma_start3A_113] : memref<102400x128xf32, #tpu.memory_space<hbm>> -> memref<128x128xf32, #tpu.memory_space<hbm>>
        tpu.enqueue_dma source(%arg11 : memref<128x128xf32, #tpu.memory_space<vmem>>) target(%dma_start3A_114 : memref<128x128xf32, #tpu.memory_space<hbm>>) target_semaphore(%arg23 : memref<!tpu.dma_semaphore, #tpu.memory_space<semaphore_mem>>)
        %add3A_115 = arith.constant 3 : i32
        %add3A_116 = arith.addi %scan3A_63, %add3A_115 : i32
        %lt3A = arith.constant 25 : i32
        %lt3A_117 = arith.cmpi slt, %add3A_116, %lt3A : i32
        %convert_element_type3A_118 = arith.extui %lt3A_117 : i1 to i32
        %cond3A_119 = arith.constant 0 : i32
        %cond3A_120 = arith.cmpi ne, %convert_element_type3A_118, %cond3A_119 : i32
        scf.if %cond3A_120 {
          %add3A_121 = arith.constant 3 : i32
          %add3A_122 = arith.addi %scan3A_63, %add3A_121 : i32
          %sub3A = arith.constant 6 : i32
          %sub3A_123 = arith.subi %add3A_122, %sub3A : i32
          %ge3A = arith.constant 0 : i32
          %ge3A_124 = arith.cmpi sge, %sub3A_123, %ge3A : i32
          %convert_element_type3A_125 = arith.extui %ge3A_124 : i1 to i32
          %cond3A_126 = arith.constant 0 : i32
          %cond3A_127 = arith.cmpi ne, %convert_element_type3A_125, %cond3A_126 : i32
          scf.if %cond3A_127 {
            %mul3A_136 = arith.constant 128 : i32
            %mul3A_137 = arith.muli %sub3A_123, %mul3A_136 : i32
            %add3A_138 = arith.addi %mul3A_2, %mul3A_137 : i32
            %dma_wait3A_139 = arith.constant 0 : i32
            %dma_wait3A_140 = tpu.memref_slice %arg4[%add3A_138, %dma_wait3A_139] : memref<102400x128xf32, #tpu.memory_space<hbm>> -> memref<128x128xf32, #tpu.memory_space<hbm>>
            %dma_wait3A_141 = arith.constant 0 : i32
            %dma_wait3A_142 = tpu.memref_slice %arg4[%add3A_138, %dma_wait3A_141] : memref<102400x128xf32, #tpu.memory_space<hbm>> -> memref<128x128xf32, #tpu.memory_space<hbm>>
            tpu.wait_dma2 semaphore(%arg20 : memref<!tpu.dma_semaphore, #tpu.memory_space<semaphore_mem>>) src(%arg8 : memref<128x128xf32, #tpu.memory_space<vmem>>) dst(%dma_wait3A_142 : memref<128x128xf32, #tpu.memory_space<hbm>>)
          } else {
          }
          %add3A_128 = arith.constant 3 : i32
          %add3A_129 = arith.addi %scan3A_63, %add3A_128 : i32
          %dma_start3A_130 = arith.constant 0 : i32
          %dma_start3A_131 = tpu.memref_slice %arg5[%add3A_129, %dma_start3A_130] : memref<25x128xi32, #tpu.memory_space<vmem>> -> memref<1x128xi32, #tpu.memory_space<vmem>>
          %dma_start3A_132 = tpu.memref_squeeze %dma_start3A_131 : memref<1x128xi32, #tpu.memory_space<vmem>> -> memref<128xi32, #tpu.memory_space<vmem>>
          %dma_start3A_133 = arith.constant 0 : i32
          %dma_start3A_134 = arith.constant 0 : i32
          %dma_start3A_135 = tpu.memref_slice %arg3[%dma_start3A_133, %dma_start3A_134] : memref<1000000x128xf32, #tpu.memory_space<hbm>> -> memref<1000000x128xf32, #tpu.memory_space<hbm>>
          tpu.enqueue_indirect_dma source(%dma_start3A_135 : memref<1000000x128xf32, #tpu.memory_space<hbm>>) target(%arg8 : memref<128x128xf32, #tpu.memory_space<vmem>>) offsets(%dma_start3A_132 : memref<128xi32, #tpu.memory_space<vmem>>) semaphore(%arg14 : memref<!tpu.dma_semaphore, #tpu.memory_space<semaphore_mem>>)
        } else {
        }
      } else {
      }
    }
    %scan3A_27 = arith.constant 25 : i32
    %dma_wait3A = arith.constant 0 : i32
    %dma_wait3A_28 = arith.constant 0 : i32
    %dma_wait3A_29 = tpu.memref_slice %arg4[%dma_wait3A, %dma_wait3A_28] : memref<102400x128xf32, #tpu.memory_space<hbm>> -> memref<128x128xf32, #tpu.memory_space<hbm>>
    %dma_wait3A_30 = arith.constant 0 : i32
    %dma_wait3A_31 = arith.constant 0 : i32
    %dma_wait3A_32 = tpu.memref_slice %arg4[%dma_wait3A_30, %dma_wait3A_31] : memref<102400x128xf32, #tpu.memory_space<hbm>> -> memref<128x128xf32, #tpu.memory_space<hbm>>
    tpu.wait_dma2 semaphore(%arg18 : memref<!tpu.dma_semaphore, #tpu.memory_space<semaphore_mem>>) src(%arg6 : memref<128x128xf32, #tpu.memory_space<vmem>>) dst(%dma_wait3A_32 : memref<128x128xf32, #tpu.memory_space<hbm>>)
    %dma_wait3A_33 = arith.constant 0 : i32
    %dma_wait3A_34 = arith.constant 0 : i32
    %dma_wait3A_35 = tpu.memref_slice %arg4[%dma_wait3A_33, %dma_wait3A_34] : memref<102400x128xf32, #tpu.memory_space<hbm>> -> memref<128x128xf32, #tpu.memory_space<hbm>>
    %dma_wait3A_36 = arith.constant 0 : i32
    %dma_wait3A_37 = arith.constant 0 : i32
    %dma_wait3A_38 = tpu.memref_slice %arg4[%dma_wait3A_36, %dma_wait3A_37] : memref<102400x128xf32, #tpu.memory_space<hbm>> -> memref<128x128xf32, #tpu.memory_space<hbm>>
    tpu.wait_dma2 semaphore(%arg19 : memref<!tpu.dma_semaphore, #tpu.memory_space<semaphore_mem>>) src(%arg7 : memref<128x128xf32, #tpu.memory_space<vmem>>) dst(%dma_wait3A_38 : memref<128x128xf32, #tpu.memory_space<hbm>>)
    %dma_wait3A_39 = arith.constant 0 : i32
    %dma_wait3A_40 = arith.constant 0 : i32
    %dma_wait3A_41 = tpu.memref_slice %arg4[%dma_wait3A_39, %dma_wait3A_40] : memref<102400x128xf32, #tpu.memory_space<hbm>> -> memref<128x128xf32, #tpu.memory_space<hbm>>
    %dma_wait3A_42 = arith.constant 0 : i32
    %dma_wait3A_43 = arith.constant 0 : i32
    %dma_wait3A_44 = tpu.memref_slice %arg4[%dma_wait3A_42, %dma_wait3A_43] : memref<102400x128xf32, #tpu.memory_space<hbm>> -> memref<128x128xf32, #tpu.memory_space<hbm>>
    tpu.wait_dma2 semaphore(%arg20 : memref<!tpu.dma_semaphore, #tpu.memory_space<semaphore_mem>>) src(%arg8 : memref<128x128xf32, #tpu.memory_space<vmem>>) dst(%dma_wait3A_44 : memref<128x128xf32, #tpu.memory_space<hbm>>)
    %dma_wait3A_45 = arith.constant 0 : i32
    %dma_wait3A_46 = arith.constant 0 : i32
    %dma_wait3A_47 = tpu.memref_slice %arg4[%dma_wait3A_45, %dma_wait3A_46] : memref<102400x128xf32, #tpu.memory_space<hbm>> -> memref<128x128xf32, #tpu.memory_space<hbm>>
    %dma_wait3A_48 = arith.constant 0 : i32
    %dma_wait3A_49 = arith.constant 0 : i32
    %dma_wait3A_50 = tpu.memref_slice %arg4[%dma_wait3A_48, %dma_wait3A_49] : memref<102400x128xf32, #tpu.memory_space<hbm>> -> memref<128x128xf32, #tpu.memory_space<hbm>>
    tpu.wait_dma2 semaphore(%arg21 : memref<!tpu.dma_semaphore, #tpu.memory_space<semaphore_mem>>) src(%arg9 : memref<128x128xf32, #tpu.memory_space<vmem>>) dst(%dma_wait3A_50 : memref<128x128xf32, #tpu.memory_space<hbm>>)
    %dma_wait3A_51 = arith.constant 0 : i32
    %dma_wait3A_52 = arith.constant 0 : i32
    %dma_wait3A_53 = tpu.memref_slice %arg4[%dma_wait3A_51, %dma_wait3A_52] : memref<102400x128xf32, #tpu.memory_space<hbm>> -> memref<128x128xf32, #tpu.memory_space<hbm>>
    %dma_wait3A_54 = arith.constant 0 : i32
    %dma_wait3A_55 = arith.constant 0 : i32
    %dma_wait3A_56 = tpu.memref_slice %arg4[%dma_wait3A_54, %dma_wait3A_55] : memref<102400x128xf32, #tpu.memory_space<hbm>> -> memref<128x128xf32, #tpu.memory_space<hbm>>
    tpu.wait_dma2 semaphore(%arg22 : memref<!tpu.dma_semaphore, #tpu.memory_space<semaphore_mem>>) src(%arg10 : memref<128x128xf32, #tpu.memory_space<vmem>>) dst(%dma_wait3A_56 : memref<128x128xf32, #tpu.memory_space<hbm>>)
    %dma_wait3A_57 = arith.constant 0 : i32
    %dma_wait3A_58 = arith.constant 0 : i32
    %dma_wait3A_59 = tpu.memref_slice %arg4[%dma_wait3A_57, %dma_wait3A_58] : memref<102400x128xf32, #tpu.memory_space<hbm>> -> memref<128x128xf32, #tpu.memory_space<hbm>>
    %dma_wait3A_60 = arith.constant 0 : i32
    %dma_wait3A_61 = arith.constant 0 : i32
    %dma_wait3A_62 = tpu.memref_slice %arg4[%dma_wait3A_60, %dma_wait3A_61] : memref<102400x128xf32, #tpu.memory_space<hbm>> -> memref<128x128xf32, #tpu.memory_space<hbm>>
    tpu.wait_dma2 semaphore(%arg23 : memref<!tpu.dma_semaphore, #tpu.memory_space<semaphore_mem>>) src(%arg11 : memref<128x128xf32, #tpu.memory_space<vmem>>) dst(%dma_wait3A_62 : memref<128x128xf32, #tpu.memory_space<hbm>>)
    return
  }
}

module attributes {stable_mosaic.version = 14 : i64} {
  func.func @_tc_body_first(%arg0: i32, %arg1: memref<64x200x128xf32, #tpu.memory_space<vmem>>, %arg2: memref<200x128xf32, #tpu.memory_space<vmem>>, %arg3: memref<128x128xf32, #tpu.memory_space<vmem>>, %arg4: memref<64x200x128xf32, #tpu.memory_space<vmem>>) attributes {dimension_semantics = [#tpu.dimension_semantics<arbitrary>], iteration_bounds = array<i64: 8>, scalar_prefetch = 0 : i64, scratch_operands = 0 : i64, tpu.core_type = #tpu.core_type<tc>, window_params = [{transform_indices = @transform_0, window_bounds = array<i64: 64, 200, 128>}, {pipeline_mode = #tpu.pipeline_mode<synchronous>, transform_indices = @transform_1, window_bounds = array<i64: 200, 128>}, {pipeline_mode = #tpu.pipeline_mode<synchronous>, transform_indices = @transform_2, window_bounds = array<i64: 128, 128>}, {transform_indices = @transform_3, window_bounds = array<i64: 64, 200, 128>}]} {
    %get3A = arith.constant 0 : index
    %get3A_0 = arith.constant 0 : index
    %get3A_1 = arith.constant 0 : index
    %get3A_2 = vector.load %arg1[%get3A, %get3A_0, %get3A_1] : memref<64x200x128xf32, #tpu.memory_space<vmem>>, vector<64x200x128xf32>
    %get3A_3 = arith.constant 0 : index
    %get3A_4 = arith.constant 0 : index
    %get3A_5 = vector.load %arg2[%get3A_3, %get3A_4] : memref<200x128xf32, #tpu.memory_space<vmem>>, vector<200x128xf32>
    %broadcast_in_dim3A = vector.shape_cast %get3A_5 : vector<200x128xf32> to vector<1x200x128xf32>
    %add3A = vector.broadcast %broadcast_in_dim3A : vector<1x200x128xf32> to vector<64x200x128xf32>
    %add3A_6 = arith.addf %get3A_2, %add3A : vector<64x200x128xf32>
    %get3A_7 = arith.constant 0 : index
    %get3A_8 = arith.constant 0 : index
    %get3A_9 = vector.load %arg3[%get3A_7, %get3A_8] : memref<128x128xf32, #tpu.memory_space<vmem>>, vector<128x128xf32>
    %mul3A = arith.constant 11.3137083 : f32
    %mul3A_10 = vector.broadcast %mul3A : f32 to vector<128x128xf32>
    %mul3A_11 = arith.mulf %get3A_9, %mul3A_10 : vector<128x128xf32>
    %reshape3A = vector.shape_cast %add3A_6 : vector<64x200x128xf32> to vector<12800x128xf32>
    %dot_general3A = arith.constant dense<0.000000e+00> : vector<12800x128xf32>
    %dot_general3A_12 = tpu.matmul %reshape3A, %mul3A_11, %dot_general3A {dimension_numbers = #tpu.dot_dimension_numbers<[1], [1], [0], [0], [0, 0, 1, 0], [], []>, transpose_lhs_hint = false} : vector<12800x128xf32>, vector<128x128xf32>, vector<12800x128xf32> -> vector<12800x128xf32>
    %reshape3A_13 = vector.shape_cast %dot_general3A_12 : vector<12800x128xf32> to vector<64x200x128xf32>
    %swap3A = arith.constant 0 : index
    %swap3A_14 = arith.constant 0 : index
    %swap3A_15 = arith.constant 0 : index
    %swap3A_16 = vector.load %arg4[%swap3A, %swap3A_14, %swap3A_15] : memref<64x200x128xf32, #tpu.memory_space<vmem>>, vector<64x200x128xf32>
    tpu.vector_store %arg4[%swap3A, %swap3A_14, %swap3A_15], %reshape3A_13 {strides = array<i32>} : memref<64x200x128xf32, #tpu.memory_space<vmem>>, vector<64x200x128xf32>,
    return
  }
  func.func @transform_0(%arg0: i32) -> (i32, i32, i32) {
    %c0_i32 = arith.constant 0 : i32
    %c0_i32_0 = arith.constant 0 : i32
    %c0_i32_1 = arith.constant 0 : i32
    return %arg0, %c0_i32, %c0_i32_0 : i32, i32, i32
  }
  func.func @transform_1(%arg0: i32) -> (i32, i32) {
    %c0_i32 = arith.constant 0 : i32
    %c0_i32_0 = arith.constant 0 : i32
    %c0_i32_1 = arith.constant 0 : i32
    return %c0_i32, %c0_i32_0 : i32, i32
  }
  func.func @transform_2(%arg0: i32) -> (i32, i32) {
    %c0_i32 = arith.constant 0 : i32
    %c0_i32_0 = arith.constant 0 : i32
    %c0_i32_1 = arith.constant 0 : i32
    return %c0_i32, %c0_i32_0 : i32, i32
  }
  func.func @transform_3(%arg0: i32) -> (i32, i32, i32) {
    %add3A = arith.constant 0 : i32
    %add3A_0 = arith.addi %add3A, %arg0 : i32
    %c0_i32 = arith.constant 0 : i32
    %c0_i32_1 = arith.constant 0 : i32
    %c0_i32_2 = arith.constant 0 : i32
    return %add3A_0, %c0_i32, %c0_i32_1 : i32, i32, i32
  }
}

module attributes {stable_mosaic.version = 14 : i64} {
  func.func @_tc_body(%arg0: i32, %arg1: memref<64x200x128xf32, #tpu.memory_space<vmem>>, %arg2: memref<200x128xf32, #tpu.memory_space<vmem>>, %arg3: memref<128x128xf32, #tpu.memory_space<vmem>>, %arg4: memref<1024x200x128xf32, #tpu.memory_space<any>>, %arg5: memref<64x200x128xf32, #tpu.memory_space<vmem>>) attributes {dimension_semantics = [#tpu.dimension_semantics<arbitrary>], iteration_bounds = array<i64: 8>, scalar_prefetch = 0 : i64, scratch_operands = 0 : i64, tpu.core_type = #tpu.core_type<tc>, window_params = [{transform_indices = @transform_0, window_bounds = array<i64: 64, 200, 128>}, {pipeline_mode = #tpu.pipeline_mode<synchronous>, transform_indices = @transform_1, window_bounds = array<i64: 200, 128>}, {pipeline_mode = #tpu.pipeline_mode<synchronous>, transform_indices = @transform_2, window_bounds = array<i64: 128, 128>}, {}, {transform_indices = @transform_4, window_bounds = array<i64: 64, 200, 128>}]} {
    %get3A = arith.constant 0 : index
    %get3A_0 = arith.constant 0 : index
    %get3A_1 = arith.constant 0 : index
    %get3A_2 = vector.load %arg1[%get3A, %get3A_0, %get3A_1] : memref<64x200x128xf32, #tpu.memory_space<vmem>>, vector<64x200x128xf32>
    %get3A_3 = arith.constant 0 : index
    %get3A_4 = arith.constant 0 : index
    %get3A_5 = vector.load %arg2[%get3A_3, %get3A_4] : memref<200x128xf32, #tpu.memory_space<vmem>>, vector<200x128xf32>
    %broadcast_in_dim3A = vector.shape_cast %get3A_5 : vector<200x128xf32> to vector<1x200x128xf32>
    %add3A = vector.broadcast %broadcast_in_dim3A : vector<1x200x128xf32> to vector<64x200x128xf32>
    %add3A_6 = arith.addf %get3A_2, %add3A : vector<64x200x128xf32>
    %get3A_7 = arith.constant 0 : index
    %get3A_8 = arith.constant 0 : index
    %get3A_9 = vector.load %arg3[%get3A_7, %get3A_8] : memref<128x128xf32, #tpu.memory_space<vmem>>, vector<128x128xf32>
    %mul3A = arith.constant 11.3137083 : f32
    %mul3A_10 = vector.broadcast %mul3A : f32 to vector<128x128xf32>
    %mul3A_11 = arith.mulf %get3A_9, %mul3A_10 : vector<128x128xf32>
    %reshape3A = vector.shape_cast %add3A_6 : vector<64x200x128xf32> to vector<12800x128xf32>
    %dot_general3A = arith.constant dense<0.000000e+00> : vector<12800x128xf32>
    %dot_general3A_12 = tpu.matmul %reshape3A, %mul3A_11, %dot_general3A {dimension_numbers = #tpu.dot_dimension_numbers<[1], [1], [0], [0], [0, 0, 1, 0], [], []>, transpose_lhs_hint = false} : vector<12800x128xf32>, vector<128x128xf32>, vector<12800x128xf32> -> vector<12800x128xf32>
    %reshape3A_13 = vector.shape_cast %dot_general3A_12 : vector<12800x128xf32> to vector<64x200x128xf32>
    %swap3A = arith.constant 0 : index
    %swap3A_14 = arith.constant 0 : index
    %swap3A_15 = arith.constant 0 : index
    %swap3A_16 = vector.load %arg5[%swap3A, %swap3A_14, %swap3A_15] : memref<64x200x128xf32, #tpu.memory_space<vmem>>, vector<64x200x128xf32>
    tpu.vector_store %arg5[%swap3A, %swap3A_14, %swap3A_15], %reshape3A_13 {strides = array<i32>} : memref<64x200x128xf32, #tpu.memory_space<vmem>>, vector<64x200x128xf32>,
    return
  }
  func.func @transform_0(%arg0: i32) -> (i32, i32, i32) {
    %c0_i32 = arith.constant 0 : i32
    %c0_i32_0 = arith.constant 0 : i32
    %c0_i32_1 = arith.constant 0 : i32
    return %arg0, %c0_i32, %c0_i32_0 : i32, i32, i32
  }
  func.func @transform_1(%arg0: i32) -> (i32, i32) {
    %c0_i32 = arith.constant 0 : i32
    %c0_i32_0 = arith.constant 0 : i32
    %c0_i32_1 = arith.constant 0 : i32
    return %c0_i32, %c0_i32_0 : i32, i32
  }
  func.func @transform_2(%arg0: i32) -> (i32, i32) {
    %c0_i32 = arith.constant 0 : i32
    %c0_i32_0 = arith.constant 0 : i32
    %c0_i32_1 = arith.constant 0 : i32
    return %c0_i32, %c0_i32_0 : i32, i32
  }
  func.func @transform_4(%arg0: i32) -> (i32, i32, i32) {
    %add3A = arith.constant 8 : i32
    %add3A_0 = arith.addi %add3A, %arg0 : i32
    %c0_i32 = arith.constant 0 : i32
    %c0_i32_1 = arith.constant 0 : i32
    %c0_i32_2 = arith.constant 0 : i32
    return %add3A_0, %c0_i32, %c0_i32_1 : i32, i32, i32
  }
}

</mosaic_0001>

<sc_bundles>
// kernel: kernel.6.cloned.1.call-start
scs
__scs_entry_jumppad:
0x0: {  	(pc) =	sbr.rel $0x88, $3  }
0x1: {  	(tag) =	ssettag $0x0;
	lr =	simm.s32 $0x1  }
0x2: {  	[smem:$0x3F9D] =	sst lr;
	_ =	strace $0xD0000000  }
0x3: {  	_ = 	snop  }
0x4: {  	_ = 	snop  }
0x5: {  	_ = 	snop  }
0x6: {  	_ = 	snop  }
0x7: {  	_ = 	snop  }
__scs_overlays_trampoline_lowered:
0x8: {  	[smem:$0x3FAC] =	sst s0  }
0x9: {  	[smem:$0x3FAD] =	sst s1  }
0xa: {  	[smem:$0x3FAE] =	sst s2  }
0xb: {  	[smem:$0x3FAF] =	sst s3  }
0xc: {  	[smem:$0x3FB0] =	sst s4  }
0xd: {  	[smem:$0x3FB1] =	sst s5  }
0xe: {  	[smem:$0x3FB2] =	sst s6  }
0xf: {  	[smem:$0x3FB3] =	sst s7  }
0x10: {  	[smem:$0x3FB4] =	sst s8  }
0x11: {  	[smem:$0x3FB5] =	sst s9;
	s0 =	simm.s32 @!p0 $0x0  }
0x12: {  	s1 =	sld [smem:$0x3F9B];
	s0 =	simm.s32 @p0 $0x1  }
0x13: {  	[smem:$0x3FB6] =	sst s0;
	s0 =	simm.s32 @!p1 $0x0  }
0x14: {  	s2 =	sld [smem:$0x3F9A];
	s0 =	simm.s32 @p1 $0x1  }
0x15: {  	[smem:$0x3FB7] =	sst s0;
	s0 =	simm.s32 @!p2 $0x0  }
0x16: {  	s3 =	sld [smem:$0x3FDB];
	s0 =	simm.s32 @p2 $0x1  }
0x17: {  	s4 =	simm.s32 $0x1BF5;
	[smem:$0x3FB9] =	sst s0  }
0x18: {  	s0 =	sld [smem:$0x3F9C];
	_ =	swait.ge [sflag:s4], $0x0  }
0x19: {  	s7 =	sld [smem:$0x3F9D]  }
0x1a: {  	s8 =	sadd.s32 $0xFFFFE003, lr  }
0x1b: {  	s9 =	sadd.s32 $0xFFFFFEF7, lr;
	s5 =	simm.s32 $0xFFFFFFFF;
	p2 =	slt.u32 s8, $0xFFFFF086  }
0x1c: {  	p1 =	slt.u32 s9, $0xF7A;
	s5 =	simm.s32 @!p2 $0x0  }
0x1d: {  	s5 =	simm.s32 @p1 $0x1;
	p0 =	seq.s32 s7, s2  }
0x1e: {  	s7 =	smul.u32 @!p0 $0xF7A, s2;
	p2 =	seq.s32 @!p0 s5, $0x0  }
0x1f: {  	s9 =	smul.u32 $0xF7A, s1;
	s8 =	simm.s32 @!p0 $0x1BF5;
	p2 =	por !p2, p0  }
0x20: {  	[sflag:s8] =	ssyncset.s32 @!p0 $0xFFFFF086;
	s6 =	sadd.s32 @!p0 s3, s7;
	s7 =	simm.s32 @!p0 $0x108  }
0x21: {  	s3 =	sadd.s32 s3, s9;
	s6 =	sadd.s32 @!p0 $0x88, s6;
	s7 =	simm.s32 @p2 $0x1082  }
0x22: {  	[simem:s7], [sflag:s8] =	dma.local @!p0 [hbm:s6], $0xF7A  }
0x23: {  	s9 =	sor.u32 $0xD0000000, s2;
	s6 =	simm.s32 $0x108;
	_ =	swait.ge @!p0 [sflag:s8], $0x0  }
0x24: {  	s3 =	sadd.s32 $0x88, s3;
	s6 =	simm.s32 @!p1 $0x1082;
	[sflag:s4] =	ssyncset.s32 $0xFFFFF086  }
0x25: {  	[simem:s6], [sflag:s4] =	dma.local [hbm:s3], $0xF7A  }
0x26: {  	[smem:$0x3F9D] =	sst s1;
	(tag) =	ssettag s2;
	_ =	strace s9  }
0x27: {  	s1 =	sld [smem:$0x3FAD]  }
0x28: {  	s2 =	sld [smem:$0x3FAE]  }
0x29: {  	s4 =	sld [smem:$0x3FB0]  }
0x2a: {  	p0 =	seq.s32 s5, $0x0;
	s5 =	sld [smem:$0x3FB1]  }
0x2b: {  	s6 =	sld [smem:$0x3FB2]  }
0x2c: {  	s7 =	sld [smem:$0x3FB3]  }
0x2d: {  	s3 =	simm.s32 $0x108;
	s8 =	sld [smem:$0x3FB4]  }
0x2e: {  	s3 =	simm.s32 @!p0 $0x1082;
	s9 =	sld [smem:$0x3FB5]  }
0x2f: {  	lr =	sadd.s32 s0, s3;
	s0 =	sld [smem:$0x3FAC]  }
0x30: {  	s3 =	sld [smem:$0x3FAF]  }
0x31: {  	[smem:$0x3FB8] =	sst s10  }
0x32: {  	s10 =	sld [smem:$0x3FB6];
	_ =	sdelay $0x3  }
0x33: {  	p0 =	seq.s32 s10, $0x1;
	s10 =	sld [smem:$0x3FB8];
	_ =	sdelay $0x3  }
0x34: {  	[smem:$0x3FB8] =	sst s10  }
0x35: {  	s10 =	sld [smem:$0x3FB7];
	_ =	sdelay $0x3  }
0x36: {  	p1 =	seq.s32 s10, $0x1;
	s10 =	sld [smem:$0x3FB8];
	_ =	sdelay $0x3  }
0x37: {  	[smem:$0x3FB8] =	sst s10  }
0x38: {  	s10 =	sld [smem:$0x3FB9]  }
0x39: {  	_ = 	snop;
	(pc) =	sbr.ind lr, $3  }
0x3a: {  	_ = 	snop  }
0x3b: {  	_ = 	snop  }
0x3c: {  	p2 =	seq.s32 s10, $0x1;
	s10 =	sld [smem:$0x3FB8]  }
0x3d: {  	_ =	shalt  }
0x3e: {  	_ =	shalt  }
0x3f: {  	_ =	shalt  }
0x40: {  	_ =	shalt  }
0x41: {  	_ =	shalt  }
0x42: {  	_ =	shalt  }
0x43: {  	_ =	shalt  }
0x44: {  	_ =	shalt  }
0x45: {  	_ =	shalt  }
0x46: {  	_ =	shalt  }
0x47: {  	_ =	shalt  }
0x48: {  	_ =	shalt  }
0x49: {  	_ =	shalt  }
0x4a: {  	_ =	shalt  }
0x4b: {  	_ =	shalt  }
0x4c: {  	_ =	shalt  }
0x4d: {  	_ =	shalt  }
0x4e: {  	_ =	shalt  }
0x4f: {  	_ =	shalt  }
0x50: {  	_ =	shalt  }
0x51: {  	_ =	shalt  }
0x52: {  	_ =	shalt  }
0x53: {  	_ =	shalt  }
0x54: {  	_ =	shalt  }
0x55: {  	_ =	shalt  }
0x56: {  	_ =	shalt  }
0x57: {  	_ =	shalt  }
0x58: {  	_ =	shalt  }
0x59: {  	_ =	shalt  }
0x5a: {  	_ =	shalt  }
0x5b: {  	_ =	shalt  }
0x5c: {  	_ =	shalt  }
0x5d: {  	_ =	shalt  }
0x5e: {  	_ =	shalt  }
0x5f: {  	_ =	shalt  }
0x60: {  	_ =	shalt  }
0x61: {  	_ =	shalt  }
0x62: {  	_ =	shalt  }
0x63: {  	_ =	shalt  }
0x64: {  	_ =	shalt  }
0x65: {  	_ =	shalt  }
0x66: {  	_ =	shalt  }
0x67: {  	_ =	shalt  }
0x68: {  	_ =	shalt  }
0x69: {  	_ =	shalt  }
0x6a: {  	_ =	shalt  }
0x6b: {  	_ =	shalt  }
0x6c: {  	_ =	shalt  }
0x6d: {  	_ =	shalt  }
0x6e: {  	_ =	shalt  }
0x6f: {  	_ =	shalt  }
0x70: {  	_ =	shalt  }
0x71: {  	_ =	shalt  }
0x72: {  	_ =	shalt  }
0x73: {  	_ =	shalt  }
0x74: {  	_ =	shalt  }
0x75: {  	_ =	shalt  }
0x76: {  	_ =	shalt  }
0x77: {  	_ =	shalt  }
0x78: {  	_ =	shalt  }
0x79: {  	_ =	shalt  }
0x7a: {  	_ =	shalt  }
0x7b: {  	_ =	shalt  }
0x7c: {  	_ =	shalt  }
0x7d: {  	_ =	shalt  }
0x7e: {  	_ =	shalt  }
0x7f: {  	_ =	shalt  }
0x80: {  	_ =	shalt  }
0x81: {  	_ =	shalt  }
0x82: {  	_ =	shalt  }
0x83: {  	_ =	shalt  }
0x84: {  	_ =	shalt  }
0x85: {  	_ =	shalt  }
0x86: {  	_ =	shalt  }
0x87: {  	_ =	shalt  }
.Lfunc_end0:
.L_simem_size_0:
called_computation_lowered:
.L_overlay_start_0:
0x88: {  	s2 =	sld [smem:$0x3FD9]  }
0x89: {  	s3 =	sld [smem:$0x3FFE];
	_ =	sdelay $0x1  }
0x8a: {  	s1 =	srdreg.scid  }
0x8b: {  	s0 =	sand.u32 $0x1, s1  }
0x8c: {  	s17 =	sshll.u32 s0, $0xA;
	s2 =	sadd.s32 s3, s2  }
0x8d: {  	s2 =	sadd.s32 s2, s17  }
0x8e: {  	[smem:$0x3FC4] =	sst s2  }
0x8f: {  	_ = 	snop  }
0x90: {  	s2 =	sld [smem:$0x3FC8]  }
0x91: {  	s18 =	sld [smem:$0x3FD0];
	(tm) =	ssettm $0x1  }
0x92: {  	s4 =	sld [smem:$0x3FFB];
	_ =	sdelay $0x3  }
0x93: {  	_ =	strace s4  }
0x94: {  	s4 =	sld [smem:$0x3FFC];
	_ =	sdelay $0x3  }
0x95: {  	_ =	strace s4  }
0x96: {  	s4 =	sld [smem:$0x3FFD];
	_ =	sdelay $0x3  }
0x97: {  	_ =	strace s4  }
0x98: {  	_ =	strace $0x8FFFFFFF  }
0x99: {  	s19 =	sld [smem:$0x3FDB];
	_ =	sdelay $0x1  }
0x9a: {  	s5 =	simm.s32 $_scs_section_size  }
0x9b: {  	s6 =	simm.s32 $_size__tile_overlayer_lowered;
	s7 =	simm.s32 $_tile_overlayer_lowered  }
0x9c: {  	s22 =	simm.s32 $0x1BFF;
	s21 =	sshll.u32 s7, $0x1;
	s4 =	sadd.s32 s5, s19  }
0x9d: {  	s8 =	simm.s32 $0x0;
	s20 =	sshll.u32 s6, $0x1;
	s6 =	sadd.s32 s21, s4  }
0x9e: {  	[timem:s8], [sflag:s22] =	dma.local [hbm:s6], s20  }
0x9f: {  	_ =	swait.ge [sflag:s22], s20  }
0xa0: {  	s5 =	ssub.s32 $0x0, s20;
	[sflag:s22] =	ssyncset.done $0x0  }
0xa1: {  	[sflag:s22] =	ssyncadd.s32 s5;
	_ =	sdelay $0x1  }
0xa2: {  	s23 =	simm.s32 $0x1B8B  }
0xa3: {  	_ =	swait.ge [sflag:s23], $0x1  }
0xa4: {  	[sflag:s23] =	ssyncset.done $0x0  }
0xa5: {  	s25 =	simm.s32 $0x1B8E;
	s24 =	sld [smem:$0x3FFE];
	[sflag:s23] =	ssyncadd.s32 $0xFFFFFFFF  }
0xa6: {  	s26 =	simm.s32 $execute0_lowered;
	[smem:$0x3FD2] =	sst s25  }
0xa7: {  	s6 =	sshll.u32 s26, $0x1;
	_ =	strace $0x80000046;
	[dreg:$0x1] =	wrdreg $0xFFFFFFFF  }
0xa8: {  	s28 =	simm.s32 $_size_execute0_lowered;
	s4 =	sadd.s32 s4, s6;
	[dreg:$0x0] =	wrdreg $0x0  }
0xa9: {  	s6 =	sshll.u32 s28, $0x1;
	[dreg:$0x2] =	wrdreg s4  }
0xaa: {  	[dreg:$0x3] =	wrdreg s6  }
0xab: {  	[dreg:$0x4] =	wrdreg $0xC0  }
0xac: {  	_ =	task [dreg:s8], $0x5FFFF  }
0xad: {  	[dreg:$0x1] =	wrdreg $0xFFFFFFFF  }
0xae: {  	[dreg:$0x0] =	wrdreg $0x60  }
0xaf: {  	[dreg:$0x2] =	wrdreg s18  }
0xb0: {  	[dreg:$0x3] =	wrdreg s2  }
0xb1: {  	[dreg:$0x4] =	wrdreg s24  }
0xb2: {  	[dreg:$0x5] =	wrdreg $0x9  }
0xb3: {  	_ =	task.clear_ibuf [dreg:s8], $0x6FFFF;
	_ =	strace $0x90000046  }
0xb4: {  	s29 =	simm.s32 $0x9;
	_ =	strace $0x80000048  }
0xb5: {  	_ =	swait.ge [sflag:s29], $0x1  }
0xb6: {  	[sflag:s29] =	ssyncadd.s32 $0xFFFFFFFF  }
0xb7: {  	_ =	strace $0x90000048  }
0xb8: {  	_ =	sfence  }
0xb9: {  	s30 =	sld [smem:$0x0];
	_ =	sdelay $0x2  }
0xba: {  	s31 =	sshll.u32 s1, $0xD;
	s1 =	sshrl.u32 s1, $0x2  }
0xbb: {  	s3 =	sand.u32 $0x4000, s31;
	s1 =	sadd.s32 s1, s30  }
0xbc: {  	s0 =	sor.u32 s3, s0;
	s1 =	sshll.u32 s1, $0x11  }
0xbd: {  	s0 =	sor.u32 s1, s0  }
0xbe: {  	s0 =	sadd.s32 $0x8F2B, s0  }
0xbf: {  	[sflag:s0] =	ssyncadd.remote.s32 $0x1  }
0xc0: {  	_ =	sfence.sel $0xFFFF  }
0xc1: {  	[dreg:$0x0] =	wrdreg $0xFFFFFFFF;
	(pc) =	sbr.abs _section_cstart, $3  }
0xc2: {  	[dreg:$0x1] =	wrdreg $0xFFFFFFFF  }
0xc3: {  	_ =	task.clear_ibuf [dreg:s8], $0x2FFFF;
	_ =	strace $0x9FFFFFFF  }
0xc4: {  	(tm) =	ssettm $0x7FFFFFFF  }
0xc5: {  	_ =	shalt  }
tec
execute0_lowered:
.L_overlay_start_1:
0x0: {  	(tag) =	ssettag $0x1  }
0x1: {  	s4 =	rddreg [dreg:$0x0]  }
0x2: {  	s2 =	rddreg [dreg:$0x1];
	s1 =	srdreg.scid  }
0x3: {  	s0 =	stileid.u32;
	s5 =	rddreg [dreg:$0x2]  }
0x4: {  	s3 =	simm.s32 $0x0;
	s11 =	simm.s32 $0x100;
	s12 =	simm.s32 $0x9000  }
0x5: {  	s13 =	simm.s32 $0x7;
	s14 =	simm.s32 $0x8;
	s15 =	simm.s32 $0x9  }
0x6: {  	s16 =	simm.s32 $0xA;
	s17 =	simm.s32 $0xB;
	s18 =	simm.s32 $0xC  }
0x7: {  	s19 =	simm.s32 $0x0;
	s6 =	sand.u32 $0x1, s1;
	s1 =	rddreg [dreg:$0x3]  }
0x8: {  	s7 =	smul.u32 $0xC8000, s0;
	[smem:$0x7FF] =	sst s3;
	s9 =	sshll.u32 s0, $0xA  }
0x9: {  	s8 =	smul.u32 $0x64000, s6;
	_ =	strace $0x80000047;
	s30 =	ssub.s32 $0x2, s6  }
.Ltmp0:
0xa: {  	s6 =	sshll.u32 s6, $0x9;
	s10 =	sshrl.u32 s30, $0x1;
	(pc) =	sbr.rel .LBB2_1-.Ltmp0, $4  }
0xb: {  	s6 =	sor.u32 s6, s9;
	s9 =	simm.s32 $0x1000;
	s7 =	sadd.s32 s8, s7  }
0xc: {  	s31 =	ssub.s32 s30, s10;
	s4 =	sadd.s32 s4, s6;
	s7 =	sshrl.u32 s7, $0x3  }
0xd: {  	s8 =	simm.s32 $0x80;
	s10 =	simm.s32 $0x5000;
	s7 =	sadd.s32 s7, s5  }
0xe: {  	s5 =	smax.u32 s31, $0x1;
	s6 =	sadd.s32 $0xE00, s7;
	s7 =	simm.s32 $0xD  }
.LBB2_6:
0xf: {  	_ =	swait.ge [sflag:s13], $0x4000  }
0x10: {  	[sflag:s13] =	ssyncset.done $0x0  }
0x11: {  	[sflag:s13] =	ssyncadd.s32 $0xFFFFC000  }
0x12: {  	_ =	swait.ge [sflag:s14], $0x4000  }
0x13: {  	[sflag:s14] =	ssyncset.done $0x0  }
0x14: {  	[sflag:s14] =	ssyncadd.s32 $0xFFFFC000  }
0x15: {  	_ =	swait.ge [sflag:s15], $0x4000  }
0x16: {  	[sflag:s15] =	ssyncset.done $0x0  }
0x17: {  	[sflag:s15] =	ssyncadd.s32 $0xFFFFC000  }
0x18: {  	_ =	swait.ge [sflag:s16], $0x4000  }
0x19: {  	[sflag:s16] =	ssyncset.done $0x0  }
0x1a: {  	s19 =	sadd.s32 $0x1, s19;
	[sflag:s16] =	ssyncadd.s32 $0xFFFFC000  }
0x1b: {  	p0 =	sne.s32 s19, s5;
	_ =	swait.ge [sflag:s17], $0x4000  }
.Ltmp1:
0x1c: {  	[sflag:s17] =	ssyncset.done $0x0;
	(pc) =	sbr.rel @!p0 .LBB2_7-.Ltmp1, $4  }
0x1d: {  	[sflag:s17] =	ssyncadd.s32 $0xFFFFC000  }
0x1e: {  	_ =	swait.ge [sflag:s18], $0x4000  }
0x1f: {  	[sflag:s18] =	ssyncset.done $0x0  }
0x20: {  	[sflag:s18] =	ssyncadd.s32 $0xFFFFC000  }
.LBB2_1:
0x21: {  	[tilespmem:s3], [sflag:$0xD] =	stream.linear.gather [hbm4b:s4+s3], $0xC80, $0x38;
	[tilespmem:$0x19000] =	vst v63  }
0x22: {  	_ =	swait.ge [sflag:s7], $0xC80  }
0x23: {  	[sflag:s7] =	ssyncset.done $0x0  }
0x24: {  	[sflag:s7] =	ssyncadd.s32 $0xFFFFF380  }
0x25: {  	[tilespmem:s9], [sflag:$0x1] =	stream.indirect.gather [hbm4b:s2+s8], $0x80, s3, s8, $0xb8;
	[tilespmem:$0x19000] =	vst v63  }
.Ltmp2:
0x26: {  	_ = 	snop;
	(pc) =	sbr.rel .LBB2_2-.Ltmp2, $4  }
0x27: {  	_ = 	snop  }
0x28: {  	[tilespmem:s10], [sflag:$0x2] =	stream.indirect.gather [hbm4b:s2+s8], $0x80, s8, s8, $0xb8;
	[tilespmem:$0x19000] =	vst v63  }
0x29: {  	s20 =	simm.s32 $0x180;
	s21 =	smov.u32 s6;
	s22 =	simm.s32 $0x0  }
0x2a: {  	[tilespmem:s12], [sflag:$0x3] =	stream.indirect.gather [hbm4b:s2+s8], $0x80, s11, s8, $0xb8;
	[tilespmem:$0x19000] =	vst v63  }
.LBB2_4:
0x2b: {  	p0 =	seq.s32 s23, $0x3  }
0x2c: {  	s24 =	simm.s32 @p0 $0x4  }
0x2d: {  	_ =	swait.ge @p0 [sflag:s24], $0x4000  }
0x2e: {  	p1 =	sgt.u32 @p0 s22, $0x15;
	s25 =	simm.s32 @p0 $0xD000;
	[sflag:s24] =	ssyncset.done @p0 $0x0  }
0x2f: {  	p1 =	por p1, !p0;
	[sflag:s24] =	ssyncadd.s32 @p0 $0xFFFFC000;
	s24 =	simm.s32 @p0 $0x0  }
0x30: {  	[hbm4b:s21+s24] =	stream.linear.scatter @p0 [tilespmem:s25], [sflag:$0xA], $0x4000, $0x38;
	[tilespmem:$0x19000] =	vst v63  }
0x31: {  	s24 =	simm.s32 @!p1 $0x7  }
0x32: {  	_ =	swait.ge @!p1 [sflag:s24], $0x4000  }
0x33: {  	[sflag:s24] =	ssyncset.done @!p1 $0x0  }
0x34: {  	s25 =	simm.s32 @!p1 $0x1000;
	[sflag:s24] =	ssyncadd.s32 @!p1 $0xFFFFC000;
	s24 =	simm.s32 @!p1 $0x80  }
0x35: {  	[tilespmem:s25], [sflag:$0x1] =	stream.indirect.gather @!p1 [hbm4b:s2+s24], $0x80, s20, s24, $0xb8;
	[tilespmem:$0x19000] =	vst v63  }
0x36: {  	p1 =	seq.s32 @!p0 s23, $0x4  }
0x37: {  	p2 =	por !p1, p0  }
0x38: {  	s23 =	simm.s32 @!p2 $0x5  }
0x39: {  	_ =	swait.ge @!p2 [sflag:s23], $0x4000  }
0x3a: {  	p3 =	sgt.u32 @!p2 s22, $0x15;
	[sflag:s23] =	ssyncset.done @!p2 $0x0  }
0x3b: {  	s24 =	simm.s32 @!p2 $0x11000;
	[sflag:s23] =	ssyncadd.s32 @!p2 $0xFFFFC000;
	s23 =	simm.s32 @!p2 $0x0  }
0x3c: {  	[hbm4b:s21+s23] =	stream.linear.scatter @!p2 [tilespmem:s24], [sflag:$0xB], $0x4000, $0x38;
	[tilespmem:$0x19000] =	vst v63  }
0x3d: {  	p2 =	por @!p0 p3, !p1  }
0x3e: {  	p2 =	por p2, p0  }
0x3f: {  	s23 =	simm.s32 @!p2 $0x8  }
0x40: {  	_ =	swait.ge @!p2 [sflag:s23], $0x4000  }
0x41: {  	[sflag:s23] =	ssyncset.done @!p2 $0x0  }
0x42: {  	s24 =	simm.s32 @!p2 $0x5000;
	[sflag:s23] =	ssyncadd.s32 @!p2 $0xFFFFC000;
	s23 =	simm.s32 @!p2 $0x80  }
0x43: {  	[tilespmem:s24], [sflag:$0x2] =	stream.indirect.gather @!p2 [hbm4b:s2+s23], $0x80, s20, s23, $0xb8;
	[tilespmem:$0x19000] =	vst v63  }
0x44: {  	p2 =	por p1, p0  }
0x45: {  	s23 =	simm.s32 @!p2 $0x6  }
0x46: {  	p3 =	sgt.u32 @!p2 s22, $0x15;
	_ =	swait.ge @!p2 [sflag:s23], $0x4000  }
0x47: {  	s24 =	simm.s32 @!p2 $0x15000;
	p1 =	por @!p0 p3, p1;
	[sflag:s23] =	ssyncset.done @!p2 $0x0  }
0x48: {  	p0 =	por p1, p0;
	[sflag:s23] =	ssyncadd.s32 @!p2 $0xFFFFC000;
	s23 =	simm.s32 @!p2 $0x0  }
0x49: {  	[hbm4b:s21+s23] =	stream.linear.scatter @!p2 [tilespmem:s24], [sflag:$0xC], $0x4000, $0x38;
	[tilespmem:$0x19000] =	vst v63  }
0x4a: {  	s23 =	simm.s32 @!p0 $0x9  }
0x4b: {  	_ =	swait.ge @!p0 [sflag:s23], $0x4000  }
0x4c: {  	[sflag:s23] =	ssyncset.done @!p0 $0x0  }
0x4d: {  	s24 =	simm.s32 @!p0 $0x9000;
	[sflag:s23] =	ssyncadd.s32 @!p0 $0xFFFFC000;
	s23 =	simm.s32 @!p0 $0x80  }
0x4e: {  	[tilespmem:s24], [sflag:$0x3] =	stream.indirect.gather @!p0 [hbm4b:s2+s23], $0x80, s20, s23, $0xb8;
	[tilespmem:$0x19000] =	vst v63  }
.LBB2_5:
0x4f: {  	s22 =	sadd.s32 $0x1, s22  }
0x50: {  	p0 =	sne.s32 s22, $0x19  }
.Ltmp3:
0x51: {  	_ = 	snop;
	(pc) =	sbr.rel @!p0 .LBB2_6-.Ltmp3, $2  }
0x52: {  	_ =	sdelay $0x2  }
0x53: {  	s20 =	sadd.s32 $0x80, s20;
	s21 =	sadd.s32 $0x800, s21  }
.LBB2_2:
0x54: {  	s23 =	smul.u32 $0xAB, s22;
	_ =	sdelay $0x1  }
0x55: {  	s23 =	sshrl.u32 s23, $0xA  }
0x56: {  	s23 =	sand.u32 $0x3F, s23  }
0x57: {  	s23 =	smul.u32 $0x6, s23;
	_ =	sdelay $0x1  }
0x58: {  	s23 =	ssub.s32 s22, s23  }
0x59: {  	s23 =	sand.u32 $0xFF, s23  }
0x5a: {  	p0 =	sgt.s32 s23, $0x2  }
.Ltmp4:
0x5b: {  	_ = 	snop;
	(pc) =	sbr.rel @p0 .LBB2_4-.Ltmp4, $1  }
0x5c: {  	_ =	sdelay $0x3  }
0x5d: {  	p0 =	seq.s32 s23, $0x0  }
0x5e: {  	s24 =	simm.s32 @p0 $0x1;
	p1 =	sgt.u32 @p0 s22, $0x15  }
0x5f: {  	_ =	swait.ge @p0 [sflag:s24], $0x4000;
	p2 =	por p1, !p0  }
0x60: {  	s25 =	simm.s32 @p0 $0x1000;
	[sflag:s24] =	ssyncset.done @p0 $0x0;
	p3 =	slt.u32 @!p2 s22, $0x3  }
0x61: {  	[sflag:s24] =	ssyncadd.s32 @p0 $0xFFFFC000;
	s24 =	simm.s32 @p0 $0x0;
	p1 =	por @p0 p3, p1  }
0x62: {  	[hbm4b:s21+s24] =	stream.linear.scatter @p0 [tilespmem:s25], [sflag:$0x7], $0x4000, $0x38;
	[tilespmem:$0x19000] =	vst v63  }
0x63: {  	p1 =	por p1, !p0  }
0x64: {  	s24 =	simm.s32 @!p1 $0xA  }
0x65: {  	_ =	swait.ge @!p1 [sflag:s24], $0x4000  }
0x66: {  	s25 =	simm.s32 @!p2 $0xD000;
	[sflag:s24] =	ssyncset.done @!p1 $0x0  }
0x67: {  	[sflag:s24] =	ssyncadd.s32 @!p1 $0xFFFFC000;
	s24 =	simm.s32 @!p2 $0x80;
	p1 =	seq.s32 @!p0 s23, $0x1  }
0x68: {  	[tilespmem:s25], [sflag:$0x4] =	stream.indirect.gather @!p2 [hbm4b:s2+s24], $0x80, s20, s24, $0xb8;
	[tilespmem:$0x19000] =	vst v63  }
0x69: {  	p2 =	por !p1, p0  }
0x6a: {  	s23 =	simm.s32 @!p2 $0x2;
	p3 =	sgt.u32 @!p2 s22, $0x15  }
0x6b: {  	_ =	swait.ge @!p2 [sflag:s23], $0x4000;
	p4 =	por @!p0 p3, !p1  }
0x6c: {  	s24 =	simm.s32 @!p2 $0x5000;
	[sflag:s23] =	ssyncset.done @!p2 $0x0;
	p4 =	por p4, p0  }
0x6d: {  	[sflag:s23] =	ssyncadd.s32 @!p2 $0xFFFFC000;
	s23 =	simm.s32 @!p2 $0x0;
	p5 =	slt.u32 @!p4 s22, $0x3  }
0x6e: {  	[hbm4b:s21+s23] =	stream.linear.scatter @!p2 [tilespmem:s24], [sflag:$0x8], $0x4000, $0x38;
	[tilespmem:$0x19000] =	vst v63  }
0x6f: {  	p2 =	por @!p2 p5, p3  }
0x70: {  	p2 =	por @!p0 p2, !p1  }
0x71: {  	p2 =	por p2, p0  }
0x72: {  	s23 =	simm.s32 @!p2 $0xB  }
0x73: {  	_ =	swait.ge @!p2 [sflag:s23], $0x4000  }
0x74: {  	s24 =	simm.s32 @!p4 $0x11000;
	[sflag:s23] =	ssyncset.done @!p2 $0x0  }
0x75: {  	[sflag:s23] =	ssyncadd.s32 @!p2 $0xFFFFC000;
	s23 =	simm.s32 @!p4 $0x80;
	p2 =	por p1, p0  }
0x76: {  	[tilespmem:s24], [sflag:$0x5] =	stream.indirect.gather @!p4 [hbm4b:s2+s23], $0x80, s20, s23, $0xb8;
	[tilespmem:$0x19000] =	vst v63  }
0x77: {  	s23 =	simm.s32 @!p2 $0x3;
	p3 =	sgt.u32 @!p2 s22, $0x15  }
0x78: {  	_ =	swait.ge @!p2 [sflag:s23], $0x4000;
	p4 =	por @!p0 p3, p1  }
0x79: {  	s24 =	simm.s32 @!p2 $0x9000;
	[sflag:s23] =	ssyncset.done @!p2 $0x0;
	p4 =	por p4, p0  }
0x7a: {  	[sflag:s23] =	ssyncadd.s32 @!p2 $0xFFFFC000;
	s23 =	simm.s32 @!p2 $0x0;
	p5 =	slt.u32 @!p4 s22, $0x3  }
0x7b: {  	[hbm4b:s21+s23] =	stream.linear.scatter @!p2 [tilespmem:s24], [sflag:$0x9], $0x4000, $0x38;
	[tilespmem:$0x19000] =	vst v63  }
0x7c: {  	p2 =	por @!p2 p5, p3  }
0x7d: {  	p1 =	por @!p0 p2, p1  }
0x7e: {  	p0 =	por p1, p0  }
.Ltmp5:
0x7f: {  	s23 =	simm.s32 @!p0 $0xC;
	(pc) =	sbr.rel .LBB2_5-.Ltmp5, $4  }
0x80: {  	_ =	swait.ge @!p0 [sflag:s23], $0x4000  }
0x81: {  	[sflag:s23] =	ssyncset.done @!p0 $0x0  }
0x82: {  	s24 =	simm.s32 @!p4 $0x15000;
	[sflag:s23] =	ssyncadd.s32 @!p0 $0xFFFFC000;
	s23 =	simm.s32 @!p4 $0x80  }
0x83: {  	[tilespmem:s24], [sflag:$0x6] =	stream.indirect.gather @!p4 [hbm4b:s2+s23], $0x80, s20, s23, $0xb8;
	[tilespmem:$0x19000] =	vst v63  }
.LBB2_7:
0x84: {  	_ =	sfence.sel $0x180000  }
0x85: {  	[bflag:$0x0] =	sbarrier.arrive $0xFFFF  }
0x86: {  	p0 =	sne.s32 s0, $0x0;
	_ =	strace $0x90000047  }
0x87: {  	s0 =	sadd.s32 @!p0 $0x100000, s1;
	[bflag:$0x2] =	sbarrier.arrive $0xFFFF  }
0x88: {  	[sflag:s0] =	ssyncadd.tile.s32 @!p0 $0x1;
	_ =	shalt  }
.Lfunc_end2:
_tile_overlayer_lowered:
.L_overlay_start_2:
0x89: {  	(tag) =	ssettag $0x2  }
0x8a: {  	s0 =	rddreg [dreg:$0x0];
	s2 =	stileid.u32  }
0x8b: {  	s1 =	rddreg [dreg:$0x1];
	p0 =	sne.s32 s2, $0x0  }
0x8c: {  	s3 =	rddreg [dreg:$0x2];
	[bflag:$0x3] =	sbarrier.arrive $0xFFFF;
	s2 =	simm.s32 @!p0 $0x1C0D  }
0x8d: {  	[timem:s3], [sflag:s2] =	dma.local @!p0 [hbm:s0], s1  }
0x8e: {  	s0 =	simm.s32 @!p0 $0xD  }
0x8f: {  	_ =	swait.ge @!p0 [sflag:s0], s1  }
0x90: {  	s1 =	ssub.s32 @!p0 $0x0, s1;
	[sflag:s0] =	ssyncset.done @!p0 $0x0  }
0x91: {  	[sflag:s0] =	ssyncadd.s32 @!p0 s1  }
0x92: {  	[bflag:$0x3] =	sbarrier.arrive $0xFFFF  }
0x93: {  	_ =	shalt  }

// kernel: kernel.9.cloned.1.call-start
scs
__scs_entry_jumppad:
0x0: {  	(pc) =	sbr.rel $0x88, $3  }
0x1: {  	(tag) =	ssettag $0x0;
	lr =	simm.s32 $0x1  }
0x2: {  	[smem:$0x3F9D] =	sst lr;
	_ =	strace $0xD0000000  }
0x3: {  	_ = 	snop  }
0x4: {  	_ = 	snop  }
0x5: {  	_ = 	snop  }
0x6: {  	_ = 	snop  }
0x7: {  	_ = 	snop  }
__scs_overlays_trampoline_lowered:
0x8: {  	[smem:$0x3FAC] =	sst s0  }
0x9: {  	[smem:$0x3FAD] =	sst s1  }
0xa: {  	[smem:$0x3FAE] =	sst s2  }
0xb: {  	[smem:$0x3FAF] =	sst s3  }
0xc: {  	[smem:$0x3FB0] =	sst s4  }
0xd: {  	[smem:$0x3FB1] =	sst s5  }
0xe: {  	[smem:$0x3FB2] =	sst s6  }
0xf: {  	[smem:$0x3FB3] =	sst s7  }
0x10: {  	[smem:$0x3FB4] =	sst s8  }
0x11: {  	[smem:$0x3FB5] =	sst s9;
	s0 =	simm.s32 @!p0 $0x0  }
0x12: {  	s1 =	sld [smem:$0x3F9B];
	s0 =	simm.s32 @p0 $0x1  }
0x13: {  	[smem:$0x3FB6] =	sst s0;
	s0 =	simm.s32 @!p1 $0x0  }
0x14: {  	s2 =	sld [smem:$0x3F9A];
	s0 =	simm.s32 @p1 $0x1  }
0x15: {  	[smem:$0x3FB7] =	sst s0;
	s0 =	simm.s32 @!p2 $0x0  }
0x16: {  	s3 =	sld [smem:$0x3FDB];
	s0 =	simm.s32 @p2 $0x1  }
0x17: {  	s4 =	simm.s32 $0x1BF5;
	[smem:$0x3FB9] =	sst s0  }
0x18: {  	s0 =	sld [smem:$0x3F9C];
	_ =	swait.ge [sflag:s4], $0x0  }
0x19: {  	s7 =	sld [smem:$0x3F9D]  }
0x1a: {  	s8 =	sadd.s32 $0xFFFFE003, lr  }
0x1b: {  	s9 =	sadd.s32 $0xFFFFFEF7, lr;
	s5 =	simm.s32 $0xFFFFFFFF;
	p2 =	slt.u32 s8, $0xFFFFF086  }
0x1c: {  	p1 =	slt.u32 s9, $0xF7A;
	s5 =	simm.s32 @!p2 $0x0  }
0x1d: {  	s5 =	simm.s32 @p1 $0x1;
	p0 =	seq.s32 s7, s2  }
0x1e: {  	s7 =	smul.u32 @!p0 $0xF7A, s2;
	p2 =	seq.s32 @!p0 s5, $0x0  }
0x1f: {  	s9 =	smul.u32 $0xF7A, s1;
	s8 =	simm.s32 @!p0 $0x1BF5;
	p2 =	por !p2, p0  }
0x20: {  	[sflag:s8] =	ssyncset.s32 @!p0 $0xFFFFF086;
	s6 =	sadd.s32 @!p0 s3, s7;
	s7 =	simm.s32 @!p0 $0x108  }
0x21: {  	s3 =	sadd.s32 s3, s9;
	s6 =	sadd.s32 @!p0 $0x88, s6;
	s7 =	simm.s32 @p2 $0x1082  }
0x22: {  	[simem:s7], [sflag:s8] =	dma.local @!p0 [hbm:s6], $0xF7A  }
0x23: {  	s9 =	sor.u32 $0xD0000000, s2;
	s6 =	simm.s32 $0x108;
	_ =	swait.ge @!p0 [sflag:s8], $0x0  }
0x24: {  	s3 =	sadd.s32 $0x88, s3;
	s6 =	simm.s32 @!p1 $0x1082;
	[sflag:s4] =	ssyncset.s32 $0xFFFFF086  }
0x25: {  	[simem:s6], [sflag:s4] =	dma.local [hbm:s3], $0xF7A  }
0x26: {  	[smem:$0x3F9D] =	sst s1;
	(tag) =	ssettag s2;
	_ =	strace s9  }
0x27: {  	s1 =	sld [smem:$0x3FAD]  }
0x28: {  	s2 =	sld [smem:$0x3FAE]  }
0x29: {  	s4 =	sld [smem:$0x3FB0]  }
0x2a: {  	p0 =	seq.s32 s5, $0x0;
	s5 =	sld [smem:$0x3FB1]  }
0x2b: {  	s6 =	sld [smem:$0x3FB2]  }
0x2c: {  	s7 =	sld [smem:$0x3FB3]  }
0x2d: {  	s3 =	simm.s32 $0x108;
	s8 =	sld [smem:$0x3FB4]  }
0x2e: {  	s3 =	simm.s32 @!p0 $0x1082;
	s9 =	sld [smem:$0x3FB5]  }
0x2f: {  	lr =	sadd.s32 s0, s3;
	s0 =	sld [smem:$0x3FAC]  }
0x30: {  	s3 =	sld [smem:$0x3FAF]  }
0x31: {  	[smem:$0x3FB8] =	sst s10  }
0x32: {  	s10 =	sld [smem:$0x3FB6];
	_ =	sdelay $0x3  }
0x33: {  	p0 =	seq.s32 s10, $0x1;
	s10 =	sld [smem:$0x3FB8];
	_ =	sdelay $0x3  }
0x34: {  	[smem:$0x3FB8] =	sst s10  }
0x35: {  	s10 =	sld [smem:$0x3FB7];
	_ =	sdelay $0x3  }
0x36: {  	p1 =	seq.s32 s10, $0x1;
	s10 =	sld [smem:$0x3FB8];
	_ =	sdelay $0x3  }
0x37: {  	[smem:$0x3FB8] =	sst s10  }
0x38: {  	s10 =	sld [smem:$0x3FB9]  }
0x39: {  	_ = 	snop;
	(pc) =	sbr.ind lr, $3  }
0x3a: {  	_ = 	snop  }
0x3b: {  	_ = 	snop  }
0x3c: {  	p2 =	seq.s32 s10, $0x1;
	s10 =	sld [smem:$0x3FB8]  }
0x3d: {  	_ =	shalt  }
0x3e: {  	_ =	shalt  }
0x3f: {  	_ =	shalt  }
0x40: {  	_ =	shalt  }
0x41: {  	_ =	shalt  }
0x42: {  	_ =	shalt  }
0x43: {  	_ =	shalt  }
0x44: {  	_ =	shalt  }
0x45: {  	_ =	shalt  }
0x46: {  	_ =	shalt  }
0x47: {  	_ =	shalt  }
0x48: {  	_ =	shalt  }
0x49: {  	_ =	shalt  }
0x4a: {  	_ =	shalt  }
0x4b: {  	_ =	shalt  }
0x4c: {  	_ =	shalt  }
0x4d: {  	_ =	shalt  }
0x4e: {  	_ =	shalt  }
0x4f: {  	_ =	shalt  }
0x50: {  	_ =	shalt  }
0x51: {  	_ =	shalt  }
0x52: {  	_ =	shalt  }
0x53: {  	_ =	shalt  }
0x54: {  	_ =	shalt  }
0x55: {  	_ =	shalt  }
0x56: {  	_ =	shalt  }
0x57: {  	_ =	shalt  }
0x58: {  	_ =	shalt  }
0x59: {  	_ =	shalt  }
0x5a: {  	_ =	shalt  }
0x5b: {  	_ =	shalt  }
0x5c: {  	_ =	shalt  }
0x5d: {  	_ =	shalt  }
0x5e: {  	_ =	shalt  }
0x5f: {  	_ =	shalt  }
0x60: {  	_ =	shalt  }
0x61: {  	_ =	shalt  }
0x62: {  	_ =	shalt  }
0x63: {  	_ =	shalt  }
0x64: {  	_ =	shalt  }
0x65: {  	_ =	shalt  }
0x66: {  	_ =	shalt  }
0x67: {  	_ =	shalt  }
0x68: {  	_ =	shalt  }
0x69: {  	_ =	shalt  }
0x6a: {  	_ =	shalt  }
0x6b: {  	_ =	shalt  }
0x6c: {  	_ =	shalt  }
0x6d: {  	_ =	shalt  }
0x6e: {  	_ =	shalt  }
0x6f: {  	_ =	shalt  }
0x70: {  	_ =	shalt  }
0x71: {  	_ =	shalt  }
0x72: {  	_ =	shalt  }
0x73: {  	_ =	shalt  }
0x74: {  	_ =	shalt  }
0x75: {  	_ =	shalt  }
0x76: {  	_ =	shalt  }
0x77: {  	_ =	shalt  }
0x78: {  	_ =	shalt  }
0x79: {  	_ =	shalt  }
0x7a: {  	_ =	shalt  }
0x7b: {  	_ =	shalt  }
0x7c: {  	_ =	shalt  }
0x7d: {  	_ =	shalt  }
0x7e: {  	_ =	shalt  }
0x7f: {  	_ =	shalt  }
0x80: {  	_ =	shalt  }
0x81: {  	_ =	shalt  }
0x82: {  	_ =	shalt  }
0x83: {  	_ =	shalt  }
0x84: {  	_ =	shalt  }
0x85: {  	_ =	shalt  }
0x86: {  	_ =	shalt  }
0x87: {  	_ =	shalt  }
.Lfunc_end0:
.L_simem_size_0:
called_computation.1_lowered:
.L_overlay_start_0:
0x88: {  	s2 =	sld [smem:$0x3FD9]  }
0x89: {  	s3 =	sld [smem:$0x3FFE];
	_ =	sdelay $0x1  }
0x8a: {  	s1 =	srdreg.scid  }
0x8b: {  	s0 =	sand.u32 $0x1, s1  }
0x8c: {  	s17 =	sshll.u32 s0, $0xA;
	s2 =	sadd.s32 s3, s2  }
0x8d: {  	s2 =	sadd.s32 s2, s17  }
0x8e: {  	[smem:$0x3FC4] =	sst s2  }
0x8f: {  	_ = 	snop  }
0x90: {  	s2 =	sld [smem:$0x3FC8];
	(tm) =	ssettm $0x1  }
0x91: {  	s18 =	sld [smem:$0x3FFB];
	_ =	sdelay $0x3  }
0x92: {  	_ =	strace s18  }
0x93: {  	s3 =	sld [smem:$0x3FFC];
	_ =	sdelay $0x3  }
0x94: {  	_ =	strace s3  }
0x95: {  	s3 =	sld [smem:$0x3FFD];
	_ =	sdelay $0x3  }
0x96: {  	_ =	strace s3  }
0x97: {  	_ =	strace $0x8FFFFFFF  }
0x98: {  	s19 =	sld [smem:$0x3FDB];
	_ =	sdelay $0x1  }
0x99: {  	s4 =	simm.s32 $_scs_section_size  }
0x9a: {  	s5 =	simm.s32 $_size__tile_overlayer_lowered;
	s6 =	simm.s32 $_tile_overlayer_lowered  }
0x9b: {  	s22 =	simm.s32 $0x1BFF;
	s21 =	sshll.u32 s6, $0x1;
	s3 =	sadd.s32 s4, s19  }
0x9c: {  	s7 =	simm.s32 $0x0;
	s20 =	sshll.u32 s5, $0x1;
	s5 =	sadd.s32 s21, s3  }
0x9d: {  	[timem:s7], [sflag:s22] =	dma.local [hbm:s5], s20  }
0x9e: {  	_ =	swait.ge [sflag:s22], s20  }
0x9f: {  	s4 =	ssub.s32 $0x0, s20;
	[sflag:s22] =	ssyncset.done $0x0  }
0xa0: {  	[sflag:s22] =	ssyncadd.s32 s4;
	_ =	sdelay $0x1  }
0xa1: {  	s23 =	simm.s32 $0x1B8B  }
0xa2: {  	_ =	swait.ge [sflag:s23], $0x1  }
0xa3: {  	[sflag:s23] =	ssyncset.done $0x0  }
0xa4: {  	s25 =	simm.s32 $0x1B8E;
	s24 =	sld [smem:$0x3FFE];
	[sflag:s23] =	ssyncadd.s32 $0xFFFFFFFF  }
0xa5: {  	s26 =	simm.s32 $execute0_lowered;
	[smem:$0x3FD2] =	sst s25  }
0xa6: {  	s5 =	sshll.u32 s26, $0x1;
	_ =	strace $0x80000049;
	[dreg:$0x1] =	wrdreg $0xFFFFFFFF  }
0xa7: {  	s28 =	simm.s32 $_size_execute0_lowered;
	s3 =	sadd.s32 s3, s5;
	[dreg:$0x0] =	wrdreg $0x0  }
0xa8: {  	s5 =	sshll.u32 s28, $0x1;
	[dreg:$0x2] =	wrdreg s3  }
0xa9: {  	[dreg:$0x3] =	wrdreg s5  }
0xaa: {  	[dreg:$0x4] =	wrdreg $0xC0  }
0xab: {  	_ =	task [dreg:s7], $0x5FFFF  }
0xac: {  	[dreg:$0x1] =	wrdreg $0xFFFFFFFF  }
0xad: {  	[dreg:$0x0] =	wrdreg $0x60  }
0xae: {  	[dreg:$0x2] =	wrdreg s24  }
0xaf: {  	[dreg:$0x3] =	wrdreg s2  }
0xb0: {  	[dreg:$0x4] =	wrdreg $0x9  }
0xb1: {  	_ =	task.clear_ibuf [dreg:s7], $0x5FFFF;
	_ =	strace $0x90000049  }
0xb2: {  	s29 =	simm.s32 $0x9;
	_ =	strace $0x8000004B  }
0xb3: {  	_ =	swait.ge [sflag:s29], $0x1  }
0xb4: {  	[sflag:s29] =	ssyncadd.s32 $0xFFFFFFFF  }
0xb5: {  	_ =	strace $0x9000004B  }
0xb6: {  	_ =	sfence  }
0xb7: {  	s30 =	sld [smem:$0x0];
	_ =	sdelay $0x2  }
0xb8: {  	s31 =	sshll.u32 s1, $0xD;
	s1 =	sshrl.u32 s1, $0x2  }
0xb9: {  	s3 =	sand.u32 $0x4000, s31;
	s1 =	sadd.s32 s1, s30  }
0xba: {  	s0 =	sor.u32 s3, s0;
	s1 =	sshll.u32 s1, $0x11  }
0xbb: {  	s0 =	sor.u32 s1, s0  }
0xbc: {  	s0 =	sadd.s32 $0x8F2B, s0  }
0xbd: {  	[sflag:s0] =	ssyncadd.remote.s32 $0x1  }
0xbe: {  	_ =	sfence.sel $0xFFFF  }
0xbf: {  	[dreg:$0x0] =	wrdreg $0xFFFFFFFF;
	(pc) =	sbr.abs _section_cstart, $3  }
0xc0: {  	[dreg:$0x1] =	wrdreg $0xFFFFFFFF  }
0xc1: {  	_ =	task.clear_ibuf [dreg:s7], $0x2FFFF;
	_ =	strace $0x9FFFFFFF  }
0xc2: {  	(tm) =	ssettm $0x7FFFFFFF  }
0xc3: {  	_ =	shalt  }
tec
execute0_lowered:
.L_overlay_start_1:
0x0: {  	(tag) =	ssettag $0x1  }
0x1: {  	s4 =	rddreg [dreg:$0x0]  }
0x2: {  	s2 =	rddreg [dreg:$0x1]  }
0x3: {  	s0 =	rddreg [dreg:$0x2]  }
0x4: {  	s5 =	srdreg.scid;
	s1 =	stileid.u32  }
0x5: {  	s3 =	simm.s32 $0x0;
	s10 =	simm.s32 $0x5000;
	s11 =	simm.s32 $0x100  }
0x6: {  	s12 =	simm.s32 $0x9000;
	s13 =	simm.s32 $0x7;
	s14 =	simm.s32 $0x8  }
0x7: {  	s15 =	simm.s32 $0x9;
	s16 =	simm.s32 $0xA;
	s17 =	simm.s32 $0xB  }
0x8: {  	s18 =	simm.s32 $0xC;
	s19 =	simm.s32 $0x0;
	s5 =	sand.u32 $0x1, s5  }
0x9: {  	s6 =	smul.u32 $0xC8000, s1;
	[smem:$0x7FF] =	sst s3;
	s8 =	sshll.u32 s1, $0xA  }
0xa: {  	s7 =	smul.u32 $0x64000, s5;
	_ =	strace $0x8000004A;
	s9 =	sshll.u32 s5, $0x9  }
.Ltmp0:
0xb: {  	s5 =	ssub.s32 $0x2, s5;
	s8 =	sor.u32 s9, s8;
	(pc) =	sbr.rel .LBB2_1-.Ltmp0, $4  }
0xc: {  	s31 =	sshrl.u32 s5, $0x1;
	s9 =	simm.s32 $0x1000;
	s6 =	sadd.s32 s7, s6  }
0xd: {  	s30 =	sadd.s32 s8, s4;
	s5 =	ssub.s32 s5, s31;
	s6 =	sshrl.u32 s6, $0x3  }
0xe: {  	s7 =	simm.s32 $0xD;
	s8 =	simm.s32 $0x80;
	s6 =	sadd.s32 s6, s4  }
0xf: {  	s5 =	smax.u32 s5, $0x1;
	s4 =	sadd.s32 $0x190E00, s30;
	s6 =	sadd.s32 $0x194E00, s6  }
.LBB2_6:
0x10: {  	_ =	swait.ge [sflag:s13], $0x4000  }
0x11: {  	[sflag:s13] =	ssyncset.done $0x0  }
0x12: {  	[sflag:s13] =	ssyncadd.s32 $0xFFFFC000  }
0x13: {  	_ =	swait.ge [sflag:s14], $0x4000  }
0x14: {  	[sflag:s14] =	ssyncset.done $0x0  }
0x15: {  	[sflag:s14] =	ssyncadd.s32 $0xFFFFC000  }
0x16: {  	_ =	swait.ge [sflag:s15], $0x4000  }
0x17: {  	[sflag:s15] =	ssyncset.done $0x0  }
0x18: {  	[sflag:s15] =	ssyncadd.s32 $0xFFFFC000  }
0x19: {  	_ =	swait.ge [sflag:s16], $0x4000  }
0x1a: {  	[sflag:s16] =	ssyncset.done $0x0  }
0x1b: {  	s19 =	sadd.s32 $0x1, s19;
	[sflag:s16] =	ssyncadd.s32 $0xFFFFC000  }
0x1c: {  	p0 =	sne.s32 s19, s5;
	_ =	swait.ge [sflag:s17], $0x4000  }
.Ltmp1:
0x1d: {  	[sflag:s17] =	ssyncset.done $0x0;
	(pc) =	sbr.rel @!p0 .LBB2_7-.Ltmp1, $4  }
0x1e: {  	[sflag:s17] =	ssyncadd.s32 $0xFFFFC000  }
0x1f: {  	_ =	swait.ge [sflag:s18], $0x4000  }
0x20: {  	[sflag:s18] =	ssyncset.done $0x0  }
0x21: {  	[sflag:s18] =	ssyncadd.s32 $0xFFFFC000  }
.LBB2_1:
0x22: {  	[tilespmem:s3], [sflag:$0xD] =	stream.linear.gather [hbm4b:s4+s3], $0xC80, $0x38;
	[tilespmem:$0x19000] =	vst v63  }
0x23: {  	_ =	swait.ge [sflag:s7], $0xC80  }
0x24: {  	[sflag:s7] =	ssyncset.done $0x0  }
0x25: {  	[sflag:s7] =	ssyncadd.s32 $0xFFFFF380  }
0x26: {  	[tilespmem:s9], [sflag:$0x1] =	stream.indirect.gather [hbm4b:s2+s8], $0x80, s3, s8, $0xb8;
	[tilespmem:$0x19000] =	vst v63  }
.Ltmp2:
0x27: {  	_ = 	snop;
	(pc) =	sbr.rel .LBB2_2-.Ltmp2, $4  }
0x28: {  	_ = 	snop  }
0x29: {  	[tilespmem:s10], [sflag:$0x2] =	stream.indirect.gather [hbm4b:s2+s8], $0x80, s8, s8, $0xb8;
	[tilespmem:$0x19000] =	vst v63  }
0x2a: {  	s20 =	simm.s32 $0x180;
	s21 =	smov.u32 s6;
	s22 =	simm.s32 $0x0  }
0x2b: {  	[tilespmem:s12], [sflag:$0x3] =	stream.indirect.gather [hbm4b:s2+s8], $0x80, s11, s8, $0xb8;
	[tilespmem:$0x19000] =	vst v63  }
.LBB2_4:
0x2c: {  	p0 =	seq.s32 s23, $0x3  }
0x2d: {  	s24 =	simm.s32 @p0 $0x4  }
0x2e: {  	_ =	swait.ge @p0 [sflag:s24], $0x4000  }
0x2f: {  	p1 =	sgt.u32 @p0 s22, $0x15;
	s25 =	simm.s32 @p0 $0xD000;
	[sflag:s24] =	ssyncset.done @p0 $0x0  }
0x30: {  	p1 =	por p1, !p0;
	[sflag:s24] =	ssyncadd.s32 @p0 $0xFFFFC000;
	s24 =	simm.s32 @p0 $0x0  }
0x31: {  	[hbm4b:s21+s24] =	stream.linear.scatter @p0 [tilespmem:s25], [sflag:$0xA], $0x4000, $0x38;
	[tilespmem:$0x19000] =	vst v63  }
0x32: {  	s24 =	simm.s32 @!p1 $0x7  }
0x33: {  	_ =	swait.ge @!p1 [sflag:s24], $0x4000  }
0x34: {  	[sflag:s24] =	ssyncset.done @!p1 $0x0  }
0x35: {  	s25 =	simm.s32 @!p1 $0x1000;
	[sflag:s24] =	ssyncadd.s32 @!p1 $0xFFFFC000;
	s24 =	simm.s32 @!p1 $0x80  }
0x36: {  	[tilespmem:s25], [sflag:$0x1] =	stream.indirect.gather @!p1 [hbm4b:s2+s24], $0x80, s20, s24, $0xb8;
	[tilespmem:$0x19000] =	vst v63  }
0x37: {  	p1 =	seq.s32 @!p0 s23, $0x4  }
0x38: {  	p2 =	por !p1, p0  }
0x39: {  	s23 =	simm.s32 @!p2 $0x5  }
0x3a: {  	_ =	swait.ge @!p2 [sflag:s23], $0x4000  }
0x3b: {  	p3 =	sgt.u32 @!p2 s22, $0x15;
	[sflag:s23] =	ssyncset.done @!p2 $0x0  }
0x3c: {  	s24 =	simm.s32 @!p2 $0x11000;
	[sflag:s23] =	ssyncadd.s32 @!p2 $0xFFFFC000;
	s23 =	simm.s32 @!p2 $0x0  }
0x3d: {  	[hbm4b:s21+s23] =	stream.linear.scatter @!p2 [tilespmem:s24], [sflag:$0xB], $0x4000, $0x38;
	[tilespmem:$0x19000] =	vst v63  }
0x3e: {  	p2 =	por @!p0 p3, !p1  }
0x3f: {  	p2 =	por p2, p0  }
0x40: {  	s23 =	simm.s32 @!p2 $0x8  }
0x41: {  	_ =	swait.ge @!p2 [sflag:s23], $0x4000  }
0x42: {  	[sflag:s23] =	ssyncset.done @!p2 $0x0  }
0x43: {  	s24 =	simm.s32 @!p2 $0x5000;
	[sflag:s23] =	ssyncadd.s32 @!p2 $0xFFFFC000;
	s23 =	simm.s32 @!p2 $0x80  }
0x44: {  	[tilespmem:s24], [sflag:$0x2] =	stream.indirect.gather @!p2 [hbm4b:s2+s23], $0x80, s20, s23, $0xb8;
	[tilespmem:$0x19000] =	vst v63  }
0x45: {  	p2 =	por p1, p0  }
0x46: {  	s23 =	simm.s32 @!p2 $0x6  }
0x47: {  	p3 =	sgt.u32 @!p2 s22, $0x15;
	_ =	swait.ge @!p2 [sflag:s23], $0x4000  }
0x48: {  	s24 =	simm.s32 @!p2 $0x15000;
	p1 =	por @!p0 p3, p1;
	[sflag:s23] =	ssyncset.done @!p2 $0x0  }
0x49: {  	p0 =	por p1, p0;
	[sflag:s23] =	ssyncadd.s32 @!p2 $0xFFFFC000;
	s23 =	simm.s32 @!p2 $0x0  }
0x4a: {  	[hbm4b:s21+s23] =	stream.linear.scatter @!p2 [tilespmem:s24], [sflag:$0xC], $0x4000, $0x38;
	[tilespmem:$0x19000] =	vst v63  }
0x4b: {  	s23 =	simm.s32 @!p0 $0x9  }
0x4c: {  	_ =	swait.ge @!p0 [sflag:s23], $0x4000  }
0x4d: {  	[sflag:s23] =	ssyncset.done @!p0 $0x0  }
0x4e: {  	s24 =	simm.s32 @!p0 $0x9000;
	[sflag:s23] =	ssyncadd.s32 @!p0 $0xFFFFC000;
	s23 =	simm.s32 @!p0 $0x80  }
0x4f: {  	[tilespmem:s24], [sflag:$0x3] =	stream.indirect.gather @!p0 [hbm4b:s2+s23], $0x80, s20, s23, $0xb8;
	[tilespmem:$0x19000] =	vst v63  }
.LBB2_5:
0x50: {  	s22 =	sadd.s32 $0x1, s22  }
0x51: {  	p0 =	sne.s32 s22, $0x19  }
.Ltmp3:
0x52: {  	_ = 	snop;
	(pc) =	sbr.rel @!p0 .LBB2_6-.Ltmp3, $2  }
0x53: {  	_ =	sdelay $0x2  }
0x54: {  	s20 =	sadd.s32 $0x80, s20;
	s21 =	sadd.s32 $0x800, s21  }
.LBB2_2:
0x55: {  	s23 =	smul.u32 $0xAB, s22;
	_ =	sdelay $0x1  }
0x56: {  	s23 =	sshrl.u32 s23, $0xA  }
0x57: {  	s23 =	sand.u32 $0x3F, s23  }
0x58: {  	s23 =	smul.u32 $0x6, s23;
	_ =	sdelay $0x1  }
0x59: {  	s23 =	ssub.s32 s22, s23  }
0x5a: {  	s23 =	sand.u32 $0xFF, s23  }
0x5b: {  	p0 =	sgt.s32 s23, $0x2  }
.Ltmp4:
0x5c: {  	_ = 	snop;
	(pc) =	sbr.rel @p0 .LBB2_4-.Ltmp4, $1  }
0x5d: {  	_ =	sdelay $0x3  }
0x5e: {  	p0 =	seq.s32 s23, $0x0  }
0x5f: {  	s24 =	simm.s32 @p0 $0x1;
	p1 =	sgt.u32 @p0 s22, $0x15  }
0x60: {  	_ =	swait.ge @p0 [sflag:s24], $0x4000;
	p2 =	por p1, !p0  }
0x61: {  	s25 =	simm.s32 @p0 $0x1000;
	[sflag:s24] =	ssyncset.done @p0 $0x0;
	p3 =	slt.u32 @!p2 s22, $0x3  }
0x62: {  	[sflag:s24] =	ssyncadd.s32 @p0 $0xFFFFC000;
	s24 =	simm.s32 @p0 $0x0;
	p1 =	por @p0 p3, p1  }
0x63: {  	[hbm4b:s21+s24] =	stream.linear.scatter @p0 [tilespmem:s25], [sflag:$0x7], $0x4000, $0x38;
	[tilespmem:$0x19000] =	vst v63  }
0x64: {  	p1 =	por p1, !p0  }
0x65: {  	s24 =	simm.s32 @!p1 $0xA  }
0x66: {  	_ =	swait.ge @!p1 [sflag:s24], $0x4000  }
0x67: {  	s25 =	simm.s32 @!p2 $0xD000;
	[sflag:s24] =	ssyncset.done @!p1 $0x0  }
0x68: {  	[sflag:s24] =	ssyncadd.s32 @!p1 $0xFFFFC000;
	s24 =	simm.s32 @!p2 $0x80;
	p1 =	seq.s32 @!p0 s23, $0x1  }
0x69: {  	[tilespmem:s25], [sflag:$0x4] =	stream.indirect.gather @!p2 [hbm4b:s2+s24], $0x80, s20, s24, $0xb8;
	[tilespmem:$0x19000] =	vst v63  }
0x6a: {  	p2 =	por !p1, p0  }
0x6b: {  	s23 =	simm.s32 @!p2 $0x2;
	p3 =	sgt.u32 @!p2 s22, $0x15  }
0x6c: {  	_ =	swait.ge @!p2 [sflag:s23], $0x4000;
	p4 =	por @!p0 p3, !p1  }
0x6d: {  	s24 =	simm.s32 @!p2 $0x5000;
	[sflag:s23] =	ssyncset.done @!p2 $0x0;
	p4 =	por p4, p0  }
0x6e: {  	[sflag:s23] =	ssyncadd.s32 @!p2 $0xFFFFC000;
	s23 =	simm.s32 @!p2 $0x0;
	p5 =	slt.u32 @!p4 s22, $0x3  }
0x6f: {  	[hbm4b:s21+s23] =	stream.linear.scatter @!p2 [tilespmem:s24], [sflag:$0x8], $0x4000, $0x38;
	[tilespmem:$0x19000] =	vst v63  }
0x70: {  	p2 =	por @!p2 p5, p3  }
0x71: {  	p2 =	por @!p0 p2, !p1  }
0x72: {  	p2 =	por p2, p0  }
0x73: {  	s23 =	simm.s32 @!p2 $0xB  }
0x74: {  	_ =	swait.ge @!p2 [sflag:s23], $0x4000  }
0x75: {  	s24 =	simm.s32 @!p4 $0x11000;
	[sflag:s23] =	ssyncset.done @!p2 $0x0  }
0x76: {  	[sflag:s23] =	ssyncadd.s32 @!p2 $0xFFFFC000;
	s23 =	simm.s32 @!p4 $0x80;
	p2 =	por p1, p0  }
0x77: {  	[tilespmem:s24], [sflag:$0x5] =	stream.indirect.gather @!p4 [hbm4b:s2+s23], $0x80, s20, s23, $0xb8;
	[tilespmem:$0x19000] =	vst v63  }
0x78: {  	s23 =	simm.s32 @!p2 $0x3;
	p3 =	sgt.u32 @!p2 s22, $0x15  }
0x79: {  	_ =	swait.ge @!p2 [sflag:s23], $0x4000;
	p4 =	por @!p0 p3, p1  }
0x7a: {  	s24 =	simm.s32 @!p2 $0x9000;
	[sflag:s23] =	ssyncset.done @!p2 $0x0;
	p4 =	por p4, p0  }
0x7b: {  	[sflag:s23] =	ssyncadd.s32 @!p2 $0xFFFFC000;
	s23 =	simm.s32 @!p2 $0x0;
	p5 =	slt.u32 @!p4 s22, $0x3  }
0x7c: {  	[hbm4b:s21+s23] =	stream.linear.scatter @!p2 [tilespmem:s24], [sflag:$0x9], $0x4000, $0x38;
	[tilespmem:$0x19000] =	vst v63  }
0x7d: {  	p2 =	por @!p2 p5, p3  }
0x7e: {  	p1 =	por @!p0 p2, p1  }
0x7f: {  	p0 =	por p1, p0  }
.Ltmp5:
0x80: {  	s23 =	simm.s32 @!p0 $0xC;
	(pc) =	sbr.rel .LBB2_5-.Ltmp5, $4  }
0x81: {  	_ =	swait.ge @!p0 [sflag:s23], $0x4000  }
0x82: {  	[sflag:s23] =	ssyncset.done @!p0 $0x0  }
0x83: {  	s24 =	simm.s32 @!p4 $0x15000;
	[sflag:s23] =	ssyncadd.s32 @!p0 $0xFFFFC000;
	s23 =	simm.s32 @!p4 $0x80  }
0x84: {  	[tilespmem:s24], [sflag:$0x6] =	stream.indirect.gather @!p4 [hbm4b:s2+s23], $0x80, s20, s23, $0xb8;
	[tilespmem:$0x19000] =	vst v63  }
.LBB2_7:
0x85: {  	_ =	sfence.sel $0x180000  }
0x86: {  	[bflag:$0x0] =	sbarrier.arrive $0xFFFF  }
0x87: {  	p0 =	sne.s32 s1, $0x0;
	_ =	strace $0x9000004A  }
0x88: {  	s0 =	sadd.s32 @!p0 $0x100000, s0;
	[bflag:$0x2] =	sbarrier.arrive $0xFFFF  }
0x89: {  	[sflag:s0] =	ssyncadd.tile.s32 @!p0 $0x1;
	_ =	shalt  }
.Lfunc_end2:
_tile_overlayer_lowered:
.L_overlay_start_2:
0x8a: {  	(tag) =	ssettag $0x2  }
0x8b: {  	s0 =	rddreg [dreg:$0x0];
	s2 =	stileid.u32  }
0x8c: {  	s1 =	rddreg [dreg:$0x1];
	p0 =	sne.s32 s2, $0x0  }
0x8d: {  	s3 =	rddreg [dreg:$0x2];
	[bflag:$0x3] =	sbarrier.arrive $0xFFFF;
	s2 =	simm.s32 @!p0 $0x1C0D  }
0x8e: {  	[timem:s3], [sflag:s2] =	dma.local @!p0 [hbm:s0], s1  }
0x8f: {  	s0 =	simm.s32 @!p0 $0xD  }
0x90: {  	_ =	swait.ge @!p0 [sflag:s0], s1  }
0x91: {  	s1 =	ssub.s32 @!p0 $0x0, s1;
	[sflag:s0] =	ssyncset.done @!p0 $0x0  }
0x92: {  	[sflag:s0] =	ssyncadd.s32 @!p0 s1  }
0x93: {  	[bflag:$0x3] =	sbarrier.arrive $0xFFFF  }
0x94: {  	_ =	shalt  }

</sc_bundles>
